<compile_context>
chip_gen: v7x
topology: tpu7x:2x2x1
jax: 0.10.2.dev20260603
libtpu: 0.0.44.dev20260713+nightly
codegen_flags: <defaults>
</compile_context>

<pallas_src>
import functools

import jax
import jax.numpy as jnp
from jax import lax
from jax.experimental import pallas as pl
from jax.experimental.pallas import tpu as pltpu
from jax.experimental.pallas import tpu_sc as plsc

N = 10000
E = 320000
D_EDGE = 16
D_NODE = 128
OUT = 128

NC = 2
NS = 16
NW = NC * NS

SUB = 128
K = 16
CHUNK = K * SUB

NSLICE = 1
E_SL = E // NSLICE

N_PAD = 10112
ZROWS = N_PAD // NS


def _geom(n):
    t_cnt = -(-n // (NW * CHUNK))
    per_tile = t_cnt * CHUNK
    e_pad = NW * per_tile
    b_part = (n // CHUNK) * CHUNK
    clamp = n - CHUNK
    shift = b_part - clamp
    tail = n - b_part
    return t_cnt, per_tile, e_pad, b_part, clamp, shift, tail


def _make_sc_body(n):
    t_cnt, per_tile, _, _, clamp, _, _ = _geom(n)

    def body(edge_hbm, recv_hbm, send_hbm, zero_hbm,
             pin_hbm, pout_hbm,
             rows_a, rows_b, idxr_a, idxr_b, idxs_a, idxs_b,
             agg_in, agg_out,
             sem_a, sem_b, sem_sc):
        c = lax.axis_index("c")
        s = lax.axis_index("s")
        wid = c * NS + s

        @pl.when(s == 0)
        def _():
            pltpu.sync_copy(zero_hbm, agg_in)

        @pl.when(s == 1)
        def _():
            pltpu.sync_copy(zero_hbm, agg_out)

        plsc.subcore_barrier()

        def start_stage(t, rows_v, idxr_v, idxs_v, sem):
            b = wid * per_tile + t * CHUNK
            row_base = jnp.minimum(b, clamp)
            pltpu.async_copy(edge_hbm.at[pl.ds(row_base, CHUNK)], rows_v, sem)
            pltpu.async_copy(recv_hbm.at[pl.ds(b, CHUNK)], idxr_v, sem)
            pltpu.async_copy(send_hbm.at[pl.ds(b, CHUNK)], idxs_v, sem)

        def wait_stage(rows_v, idxr_v, idxs_v, sem):
            pltpu.make_async_copy(
                edge_hbm.at[pl.ds(0, CHUNK)], rows_v, sem).wait()
            pltpu.make_async_copy(
                recv_hbm.at[pl.ds(0, CHUNK)], idxr_v, sem).wait()
            pltpu.make_async_copy(
                send_hbm.at[pl.ds(0, CHUNK)], idxs_v, sem).wait()

        def do_chunk(t, rows_v, idxr_v, idxs_v, sem,
                     rows_n, idxr_n, idxs_n, sem_n):
            wait_stage(rows_v, idxr_v, idxs_v, sem)

            @pl.when(t + 1 < t_cnt)
            def _():
                start_stage(t + 1, rows_n, idxr_n, idxs_n, sem_n)

            def sub_body(j, _):
                src = rows_v.at[pl.ds(j * SUB, SUB)]
                ix = pl.ds(j * SUB, SUB)
                pltpu.async_copy(src, agg_in.at[idxr_v.at[ix]], sem_sc,
                                 add=True)
                pltpu.async_copy(src, agg_out.at[idxs_v.at[ix]], sem_sc,
                                 add=True)
                return 0

            lax.fori_loop(0, K, sub_body, 0)
            pltpu.make_async_copy(
                edge_hbm.at[pl.ds(0, CHUNK)], rows_v, sem_sc).wait()
            pltpu.make_async_copy(
                edge_hbm.at[pl.ds(0, CHUNK)], rows_v, sem_sc).wait()

        start_stage(0, rows_a, idxr_a, idxs_a, sem_a)

        def outer(t, _):
            @pl.when(t % 2 == 0)
            def _():
                do_chunk(t, rows_a, idxr_a, idxs_a, sem_a,
                         rows_b, idxr_b, idxs_b, sem_b)

            @pl.when(t % 2 == 1)
            def _():
                do_chunk(t, rows_b, idxr_b, idxs_b, sem_b,
                         rows_a, idxr_a, idxs_a, sem_a)

            return 0

        lax.fori_loop(0, t_cnt, outer, 0)
        plsc.subcore_barrier()

        @pl.when(s < NS - 1)
        def _():
            sl = pl.ds(s * ZROWS, ZROWS)
            pltpu.sync_copy(agg_in.at[sl], pin_hbm.at[c].at[sl])
            pltpu.sync_copy(agg_out.at[sl], pout_hbm.at[c].at[sl])

        @pl.when(s == NS - 1)
        def _():
            tail_rows = N - (NS - 1) * ZROWS
            sl = pl.ds((NS - 1) * ZROWS, tail_rows)
            pltpu.sync_copy(agg_in.at[sl], pin_hbm.at[c].at[sl])
            pltpu.sync_copy(agg_out.at[sl], pout_hbm.at[c].at[sl])

    return body


@functools.cache
def _sc_scatter(n):
  return pl.kernel(
    _make_sc_body(n),
    out_type=(
        jax.ShapeDtypeStruct((NC, N, D_EDGE), jnp.float32),
        jax.ShapeDtypeStruct((NC, N, D_EDGE), jnp.float32),
    ),
    mesh=plsc.VectorSubcoreMesh(core_axis_name="c", subcore_axis_name="s",
                                num_cores=NC, num_subcores=NS),
    compiler_params=pltpu.CompilerParams(use_tc_tiling_on_sc=False),
    scratch_types=[
        pltpu.VMEM((CHUNK, D_EDGE), jnp.float32),
        pltpu.VMEM((CHUNK, D_EDGE), jnp.float32),
        pltpu.VMEM((CHUNK,), jnp.int32),
        pltpu.VMEM((CHUNK,), jnp.int32),
        pltpu.VMEM((CHUNK,), jnp.int32),
        pltpu.VMEM((CHUNK,), jnp.int32),
        pltpu.VMEM_SHARED((N_PAD, D_EDGE), jnp.float32),
        pltpu.VMEM_SHARED((N_PAD, D_EDGE), jnp.float32),
        pltpu.SemaphoreType.DMA,
        pltpu.SemaphoreType.DMA,
        pltpu.SemaphoreType.DMA,
    ],
  )


def _pad_idx(ix):
    n = ix.shape[0]
    _, _, e_pad, b_part, _, shift, tail = _geom(n)

    def dummies(count):
        return N + jnp.arange(count, dtype=jnp.int32) % (N_PAD - N)

    return jnp.concatenate([
        ix[:b_part],
        dummies(shift),
        ix[b_part:],
        dummies(e_pad - b_part - shift - tail),
    ])



_GBLK = N // 8
_PP = N * D_EDGE // 128


_NBLK = 250


def _tc_node_body(nf3, wnt, b, out3):
    acc = lax.dot_general(nf3[...], wnt[...],
                          dimension_numbers=(((2,), (0,)), ((), ())),
                          preferred_element_type=jnp.float32,
                          precision="highest")
    out3[...] = acc + b[...]


def _tc_node(nf3, wnt, bias3d):
    return pl.pallas_call(
        _tc_node_body,
        grid=(N // 8 // _NBLK,),
        in_specs=[
            pl.BlockSpec((_NBLK, 8, D_NODE), lambda i: (i, 0, 0)),
            pl.BlockSpec((D_NODE, OUT), lambda i: (0, 0)),
            pl.BlockSpec((1, 1, OUT), lambda i: (0, 0, 0)),
        ],
        out_specs=pl.BlockSpec((_NBLK, 8, OUT), lambda i: (i, 0, 0)),
        out_shape=jax.ShapeDtypeStruct((N // 8, 8, OUT), jnp.float32),
    )(nf3, wnt, bias3d)


def _tc_agg_body(base3, pin1, pout1, wci, wco, out3):
    pi = pin1[0] + pin1[1]
    po = pout1[0] + pout1[1]
    acc = base3[...] + lax.dot_general(
        pi, wci[...], dimension_numbers=(((1,), (0,)), ((), ())),
        preferred_element_type=jnp.float32, precision="highest")
    acc = acc + lax.dot_general(
        po, wco[...], dimension_numbers=(((1,), (0,)), ((), ())),
        preferred_element_type=jnp.float32, precision="highest")
    out3[...] = acc


def _tc_agg(base3, pin1, pout1, wci, wco):
    pspec = pl.BlockSpec((NC, _PP, 128), lambda i: (0, 0, 0))
    return pl.pallas_call(
        _tc_agg_body,
        grid=(1,),
        in_specs=[
            pl.BlockSpec((_GBLK, 8, OUT), lambda i: (0, 0, 0)),
            pspec, pspec,
            pl.BlockSpec((128, 8, OUT), lambda i: (0, 0, 0)),
            pl.BlockSpec((128, 8, OUT), lambda i: (0, 0, 0)),
        ],
        out_specs=pl.BlockSpec((_GBLK, 8, OUT), lambda i: (0, 0, 0)),
        out_shape=jax.ShapeDtypeStruct((N // 8, 8, OUT), jnp.float32),
    )(base3, pin1, pout1, wci, wco)


def _lift_w(w):
    eye = jnp.eye(8, dtype=jnp.float32)
    wc = eye[:, None, :, None] * w.T[None, :, None, :]
    return wc.reshape(128, 8, OUT)


def kernel(node_features, edge_features, senders, receivers,
           W_node, W_incoming, W_outgoing, bias):
    zeros = jnp.zeros((N_PAD, D_EDGE), jnp.float32)
    base3 = _tc_node(node_features.reshape(N // 8, 8, D_NODE),
                     W_node.T, bias.reshape(1, 1, OUT))
    pin, pout = _sc_scatter(E_SL)(
        edge_features, _pad_idx(receivers), _pad_idx(senders), zeros)
    out3 = _tc_agg(base3,
                   pin.reshape(NC, _PP, 128), pout.reshape(NC, _PP, 128),
                   _lift_w(W_incoming), _lift_w(W_outgoing))
    return out3.reshape(N, OUT)

# --- scband reference (transcript-rebuilt; emitter-appended) ---
"""Pipeline reference for scband-node-linear-16088947491453 (READ-ONLY COPY).

The authoritative reference and input builder live on the scoring server;
editing this copy changes nothing except your own understanding.
"""

import jax, jax.numpy as jnp
import numpy as np

N = 10000
E = 320000
D_NODE = 128
D_EDGE = 16
OUT = 128


def setup_inputs(seed: int = 0) -> dict:
    key = jax.random.key(seed)
    ks = jax.random.split(key, 8)
    node_features = jax.random.normal(ks[0], (N, D_NODE), dtype=jnp.float32)
    edge_features = jax.random.normal(ks[1], (E, D_EDGE), dtype=jnp.float32)
    senders = jax.random.randint(ks[2], (E,), 0, N, dtype=jnp.int32)
    receivers = jax.random.randint(ks[3], (E,), 0, N, dtype=jnp.int32)
    # learned parameters (kaiming-uniform-like init)
    W_node = jax.random.uniform(ks[4], (OUT, D_NODE), dtype=jnp.float32, minval=-1.0, maxval=1.0) * (1.0 / np.sqrt(D_NODE))
    W_incoming = jax.random.uniform(ks[5], (OUT, D_EDGE), dtype=jnp.float32, minval=-1.0, maxval=1.0) * (1.0 / np.sqrt(D_EDGE))
    W_outgoing = jax.random.uniform(ks[6], (OUT, D_EDGE), dtype=jnp.float32, minval=-1.0, maxval=1.0) * (1.0 / np.sqrt(D_EDGE))
    bias = jax.random.uniform(ks[7], (OUT,), dtype=jnp.float32, minval=-1.0, maxval=1.0) * (1.0 / np.sqrt(OUT))
    return {
        "node_features": node_features,
        "edge_features": edge_features,
        "senders": senders,
        "receivers": receivers,
        "W_node": W_node,
        "W_incoming": W_incoming,
        "W_outgoing": W_outgoing,
        "bias": bias,
    }


def reference(node_features, edge_features, senders, receivers, W_node, W_incoming, W_outgoing, bias):
    # sum aggregation of edge features onto nodes (scatter-add / segment_sum)
    agg_incoming = jax.ops.segment_sum(edge_features, receivers, num_segments=N)
    agg_outgoing = jax.ops.segment_sum(edge_features, senders, num_segments=N)
    new_nodes = node_features @ W_node.T
    new_nodes = new_nodes + agg_incoming @ W_incoming.T
    new_nodes = new_nodes + agg_outgoing @ W_outgoing.T
    new_nodes = new_nodes + bias
    return new_nodes

if __name__ == "__main__":
    import jax
    _d = setup_inputs()
    print(jax.jit(kernel)(*tuple(_d.values())))

</pallas_src>

<mosaic_0001>
#map = affine_map<(d0, d1) -> (0, 0)>
#map1 = affine_map<(d0, d1) -> (0)>
#map2 = affine_map<(d0, d1) -> (0, 0, 0)>
module attributes {stable_mosaic.version = 14 : i64} {
  func.func @body(%arg0: i32, %arg1: i32, %arg2: memref<320000x16xf32, #tpu.memory_space<hbm>>, %arg3: memref<327680xi32, #tpu.memory_space<hbm>>, %arg4: memref<327680xi32, #tpu.memory_space<hbm>>, %arg5: memref<10112x16xf32, #tpu.memory_space<hbm>>, %arg6: memref<2x10000x16xf32, #tpu.memory_space<hbm>>, %arg7: memref<2x10000x16xf32, #tpu.memory_space<hbm>>, %arg8: memref<2048x16xf32, #tpu.memory_space<vmem>>, %arg9: memref<2048x16xf32, #tpu.memory_space<vmem>>, %arg10: memref<2048xi32, #tpu.memory_space<vmem>>, %arg11: memref<2048xi32, #tpu.memory_space<vmem>>, %arg12: memref<2048xi32, #tpu.memory_space<vmem>>, %arg13: memref<2048xi32, #tpu.memory_space<vmem>>, %arg14: memref<10112x16xf32, #tpu.memory_space<vmem_shared>>, %arg15: memref<10112x16xf32, #tpu.memory_space<vmem_shared>>, %arg16: memref<!tpu.dma_semaphore, #tpu.memory_space<semaphore_mem>>, %arg17: memref<!tpu.dma_semaphore, #tpu.memory_space<semaphore_mem>>, %arg18: memref<!tpu.dma_semaphore, #tpu.memory_space<semaphore_mem>>) attributes {dimension_semantics = [#tpu.dimension_semantics<core_parallel>, #tpu.dimension_semantics<subcore_parallel>], iteration_bounds = array<i64: 2, 16>, scalar_prefetch = 0 : i64, scratch_operands = 11 : i64, tpu.core_type = #tpu.core_type<sc_vector_subcore>, window_params = [{transform_indices = #map}, {transform_indices = #map1}, {transform_indices = #map1}, {transform_indices = #map}, {transform_indices = #map2}, {transform_indices = #map2}]} {
    %mul3A = arith.constant 16 : i32
    %mul3A_0 = arith.muli %arg0, %mul3A : i32
    %add3A = arith.addi %mul3A_0, %arg1 : i32
    %eq3A = arith.constant 0 : i32
    %eq3A_1 = arith.cmpi eq, %arg1, %eq3A : i32
    %convert_element_type3A = arith.extui %eq3A_1 : i1 to i32
    %cond3A = arith.constant 0 : i32
    %cond3A_2 = arith.cmpi ne, %convert_element_type3A, %cond3A : i32
    scf.if %cond3A_2 {
      "tpu.region"() ({
        %run_scoped3A = tpu.sem_alloc : memref<!tpu.dma_semaphore, #tpu.memory_space<semaphore_mem>>
        tpu.enqueue_dma source(%arg5 : memref<10112x16xf32, #tpu.memory_space<hbm>>) target(%arg14 : memref<10112x16xf32, #tpu.memory_space<vmem_shared>>) target_semaphore(%run_scoped3A : memref<!tpu.dma_semaphore, #tpu.memory_space<semaphore_mem>>)
        tpu.wait_dma2 semaphore(%run_scoped3A : memref<!tpu.dma_semaphore, #tpu.memory_space<semaphore_mem>>) src(%arg5 : memref<10112x16xf32, #tpu.memory_space<hbm>>) dst(%arg14 : memref<10112x16xf32, #tpu.memory_space<vmem_shared>>)
        tpu.yield
      }) : () -> ()
    } else {
    }
    %eq3A_3 = arith.constant 1 : i32
    %eq3A_4 = arith.cmpi eq, %arg1, %eq3A_3 : i32
    %convert_element_type3A_5 = arith.extui %eq3A_4 : i1 to i32
    %cond3A_6 = arith.constant 0 : i32
    %cond3A_7 = arith.cmpi ne, %convert_element_type3A_5, %cond3A_6 : i32
    scf.if %cond3A_7 {
      "tpu.region"() ({
        %run_scoped3A = tpu.sem_alloc : memref<!tpu.dma_semaphore, #tpu.memory_space<semaphore_mem>>
        tpu.enqueue_dma source(%arg5 : memref<10112x16xf32, #tpu.memory_space<hbm>>) target(%arg15 : memref<10112x16xf32, #tpu.memory_space<vmem_shared>>) target_semaphore(%run_scoped3A : memref<!tpu.dma_semaphore, #tpu.memory_space<semaphore_mem>>)
        tpu.wait_dma2 semaphore(%run_scoped3A : memref<!tpu.dma_semaphore, #tpu.memory_space<semaphore_mem>>) src(%arg5 : memref<10112x16xf32, #tpu.memory_space<hbm>>) dst(%arg15 : memref<10112x16xf32, #tpu.memory_space<vmem_shared>>)
        tpu.yield
      }) : () -> ()
    } else {
    }
    %barrier3A = arith.constant 0 : index
    tpu.barrier barrier_id(%barrier3A)
    %mul3A_8 = arith.constant 10240 : i32
    %mul3A_9 = arith.muli %add3A, %mul3A_8 : i32
    %add3A_10 = arith.constant 0 : i32
    %add3A_11 = arith.addi %mul3A_9, %add3A_10 : i32
    %min3A = arith.constant 317952 : i32
    %min3A_12 = arith.minsi %add3A_11, %min3A : i32
    %dma_start3A = arith.constant 0 : i32
    %dma_start3A_13 = tpu.memref_slice %arg2[%min3A_12, %dma_start3A] : memref<320000x16xf32, #tpu.memory_space<hbm>> -> memref<2048x16xf32, #tpu.memory_space<hbm>>
    %dma_start3A_14 = arith.constant 0 : i32
    %dma_start3A_15 = tpu.memref_slice %arg2[%min3A_12, %dma_start3A_14] : memref<320000x16xf32, #tpu.memory_space<hbm>> -> memref<2048x16xf32, #tpu.memory_space<hbm>>
    tpu.enqueue_dma source(%dma_start3A_15 : memref<2048x16xf32, #tpu.memory_space<hbm>>) target(%arg8 : memref<2048x16xf32, #tpu.memory_space<vmem>>) target_semaphore(%arg16 : memref<!tpu.dma_semaphore, #tpu.memory_space<semaphore_mem>>)
    %dma_start3A_16 = tpu.memref_slice %arg3[%add3A_11] : memref<327680xi32, #tpu.memory_space<hbm>> -> memref<2048xi32, #tpu.memory_space<hbm>>
    %dma_start3A_17 = tpu.memref_slice %arg3[%add3A_11] : memref<327680xi32, #tpu.memory_space<hbm>> -> memref<2048xi32, #tpu.memory_space<hbm>>
    tpu.enqueue_dma source(%dma_start3A_17 : memref<2048xi32, #tpu.memory_space<hbm>>) target(%arg10 : memref<2048xi32, #tpu.memory_space<vmem>>) target_semaphore(%arg16 : memref<!tpu.dma_semaphore, #tpu.memory_space<semaphore_mem>>)
    %dma_start3A_18 = tpu.memref_slice %arg4[%add3A_11] : memref<327680xi32, #tpu.memory_space<hbm>> -> memref<2048xi32, #tpu.memory_space<hbm>>
    %dma_start3A_19 = tpu.memref_slice %arg4[%add3A_11] : memref<327680xi32, #tpu.memory_space<hbm>> -> memref<2048xi32, #tpu.memory_space<hbm>>
    tpu.enqueue_dma source(%dma_start3A_19 : memref<2048xi32, #tpu.memory_space<hbm>>) target(%arg12 : memref<2048xi32, #tpu.memory_space<vmem>>) target_semaphore(%arg16 : memref<!tpu.dma_semaphore, #tpu.memory_space<semaphore_mem>>)
    %scan3A = arith.constant 0 : i32
    %scan3A_20 = arith.constant 0 : i32
    %scan3A_21 = arith.constant 5 : i32
    %scan3A_22 = arith.addi %scan3A_20, %scan3A_21 : i32
    %scan3A_23 = arith.constant 1 : i32
    %scan3A_24 = scf.for %scan3A_36 = %scan3A_20 to %scan3A_22 step %scan3A_23 iter_args(%scan3A_37 = %scan3A) -> (i32)  : i32 {
      %jit3A = arith.constant 2 : i32
      %eq3A_38 = arith.constant 0 : i32
      %eq3A_39 = arith.cmpi eq, %jit3A, %eq3A_38 : i32
      %jit3A_40 = arith.constant 1 : i32
      %select_n3A = arith.select %eq3A_39, %jit3A_40, %jit3A : i32
      %rem3A = arith.remsi %scan3A_36, %select_n3A : i32
      %ne3A = arith.constant 0 : i32
      %ne3A_41 = arith.cmpi ne, %rem3A, %ne3A : i32
      %lt3A_42 = arith.constant 0 : i32
      %lt3A_43 = arith.cmpi slt, %rem3A, %lt3A_42 : i32
      %lt3A_44 = arith.constant 0 : i32
      %lt3A_45 = arith.cmpi slt, %select_n3A, %lt3A_44 : i32
      %ne3A_46 = arith.xori %lt3A_43, %lt3A_45 : i1
      %and3A = arith.andi %ne3A_46, %ne3A_41 : i1
      %add3A_47 = arith.addi %rem3A, %select_n3A : i32
      %select_n3A_48 = arith.select %and3A, %add3A_47, %rem3A : i32
      %eq3A_49 = arith.constant 0 : i32
      %eq3A_50 = arith.cmpi eq, %select_n3A_48, %eq3A_49 : i32
      %convert_element_type3A_51 = arith.extui %eq3A_50 : i1 to i32
      %cond3A_52 = arith.constant 0 : i32
      %cond3A_53 = arith.cmpi ne, %convert_element_type3A_51, %cond3A_52 : i32
      scf.if %cond3A_53 {
        %dma_wait3A = arith.constant 0 : i32
        %dma_wait3A_76 = arith.constant 0 : i32
        %dma_wait3A_77 = tpu.memref_slice %arg2[%dma_wait3A, %dma_wait3A_76] : memref<320000x16xf32, #tpu.memory_space<hbm>> -> memref<2048x16xf32, #tpu.memory_space<hbm>>
        %dma_wait3A_78 = arith.constant 0 : i32
        %dma_wait3A_79 = arith.constant 0 : i32
        %dma_wait3A_80 = tpu.memref_slice %arg2[%dma_wait3A_78, %dma_wait3A_79] : memref<320000x16xf32, #tpu.memory_space<hbm>> -> memref<2048x16xf32, #tpu.memory_space<hbm>>
        tpu.wait_dma2 semaphore(%arg16 : memref<!tpu.dma_semaphore, #tpu.memory_space<semaphore_mem>>) src(%dma_wait3A_80 : memref<2048x16xf32, #tpu.memory_space<hbm>>) dst(%arg8 : memref<2048x16xf32, #tpu.memory_space<vmem>>)
        %dma_wait3A_81 = arith.constant 0 : i32
        %dma_wait3A_82 = tpu.memref_slice %arg3[%dma_wait3A_81] : memref<327680xi32, #tpu.memory_space<hbm>> -> memref<2048xi32, #tpu.memory_space<hbm>>
        %dma_wait3A_83 = arith.constant 0 : i32
        %dma_wait3A_84 = tpu.memref_slice %arg3[%dma_wait3A_83] : memref<327680xi32, #tpu.memory_space<hbm>> -> memref<2048xi32, #tpu.memory_space<hbm>>
        tpu.wait_dma2 semaphore(%arg16 : memref<!tpu.dma_semaphore, #tpu.memory_space<semaphore_mem>>) src(%dma_wait3A_84 : memref<2048xi32, #tpu.memory_space<hbm>>) dst(%arg10 : memref<2048xi32, #tpu.memory_space<vmem>>)
        %dma_wait3A_85 = arith.constant 0 : i32
        %dma_wait3A_86 = tpu.memref_slice %arg4[%dma_wait3A_85] : memref<327680xi32, #tpu.memory_space<hbm>> -> memref<2048xi32, #tpu.memory_space<hbm>>
        %dma_wait3A_87 = arith.constant 0 : i32
        %dma_wait3A_88 = tpu.memref_slice %arg4[%dma_wait3A_87] : memref<327680xi32, #tpu.memory_space<hbm>> -> memref<2048xi32, #tpu.memory_space<hbm>>
        tpu.wait_dma2 semaphore(%arg16 : memref<!tpu.dma_semaphore, #tpu.memory_space<semaphore_mem>>) src(%dma_wait3A_88 : memref<2048xi32, #tpu.memory_space<hbm>>) dst(%arg12 : memref<2048xi32, #tpu.memory_space<vmem>>)
        %add3A_89 = arith.constant 1 : i32
        %add3A_90 = arith.addi %scan3A_36, %add3A_89 : i32
        %lt3A_91 = arith.constant 5 : i32
        %lt3A_92 = arith.cmpi slt, %add3A_90, %lt3A_91 : i32
        %convert_element_type3A_93 = arith.extui %lt3A_92 : i1 to i32
        %cond3A_94 = arith.constant 0 : i32
        %cond3A_95 = arith.cmpi ne, %convert_element_type3A_93, %cond3A_94 : i32
        scf.if %cond3A_95 {
          %add3A_115 = arith.constant 1 : i32
          %add3A_116 = arith.addi %scan3A_36, %add3A_115 : i32
          %mul3A_117 = arith.constant 10240 : i32
          %mul3A_118 = arith.muli %add3A, %mul3A_117 : i32
          %mul3A_119 = arith.constant 2048 : i32
          %mul3A_120 = arith.muli %add3A_116, %mul3A_119 : i32
          %add3A_121 = arith.addi %mul3A_118, %mul3A_120 : i32
          %min3A_122 = arith.constant 317952 : i32
          %min3A_123 = arith.minsi %add3A_121, %min3A_122 : i32
          %dma_start3A_124 = arith.constant 0 : i32
          %dma_start3A_125 = tpu.memref_slice %arg2[%min3A_123, %dma_start3A_124] : memref<320000x16xf32, #tpu.memory_space<hbm>> -> memref<2048x16xf32, #tpu.memory_space<hbm>>
          %dma_start3A_126 = arith.constant 0 : i32
          %dma_start3A_127 = tpu.memref_slice %arg2[%min3A_123, %dma_start3A_126] : memref<320000x16xf32, #tpu.memory_space<hbm>> -> memref<2048x16xf32, #tpu.memory_space<hbm>>
          tpu.enqueue_dma source(%dma_start3A_127 : memref<2048x16xf32, #tpu.memory_space<hbm>>) target(%arg9 : memref<2048x16xf32, #tpu.memory_space<vmem>>) target_semaphore(%arg17 : memref<!tpu.dma_semaphore, #tpu.memory_space<semaphore_mem>>)
          %dma_start3A_128 = tpu.memref_slice %arg3[%add3A_121] : memref<327680xi32, #tpu.memory_space<hbm>> -> memref<2048xi32, #tpu.memory_space<hbm>>
          %dma_start3A_129 = tpu.memref_slice %arg3[%add3A_121] : memref<327680xi32, #tpu.memory_space<hbm>> -> memref<2048xi32, #tpu.memory_space<hbm>>
          tpu.enqueue_dma source(%dma_start3A_129 : memref<2048xi32, #tpu.memory_space<hbm>>) target(%arg11 : memref<2048xi32, #tpu.memory_space<vmem>>) target_semaphore(%arg17 : memref<!tpu.dma_semaphore, #tpu.memory_space<semaphore_mem>>)
          %dma_start3A_130 = tpu.memref_slice %arg4[%add3A_121] : memref<327680xi32, #tpu.memory_space<hbm>> -> memref<2048xi32, #tpu.memory_space<hbm>>
          %dma_start3A_131 = tpu.memref_slice %arg4[%add3A_121] : memref<327680xi32, #tpu.memory_space<hbm>> -> memref<2048xi32, #tpu.memory_space<hbm>>
          tpu.enqueue_dma source(%dma_start3A_131 : memref<2048xi32, #tpu.memory_space<hbm>>) target(%arg13 : memref<2048xi32, #tpu.memory_space<vmem>>) target_semaphore(%arg17 : memref<!tpu.dma_semaphore, #tpu.memory_space<semaphore_mem>>)
        } else {
        }
        %scan3A_96 = arith.constant 0 : i32
        %scan3A_97 = arith.constant 0 : i32
        %scan3A_98 = arith.constant 16 : i32
        %scan3A_99 = arith.addi %scan3A_97, %scan3A_98 : i32
        %scan3A_100 = arith.constant 1 : i32
        %scan3A_101 = scf.for %scan3A_115 = %scan3A_97 to %scan3A_99 step %scan3A_100 iter_args(%scan3A_116 = %scan3A_96) -> (i32)  : i32 {
          %mul3A_117 = arith.constant 128 : i32
          %mul3A_118 = arith.muli %scan3A_115, %mul3A_117 : i32
          %mul3A_119 = arith.constant 128 : i32
          %mul3A_120 = arith.muli %scan3A_115, %mul3A_119 : i32
          %dma_start3A_121 = arith.constant 0 : i32
          %dma_start3A_122 = tpu.memref_slice %arg8[%mul3A_118, %dma_start3A_121] : memref<2048x16xf32, #tpu.memory_space<vmem>> -> memref<128x16xf32, #tpu.memory_space<vmem>>
          %dma_start3A_123 = tpu.memref_slice %arg10[%mul3A_120] : memref<2048xi32, #tpu.memory_space<vmem>> -> memref<128xi32, #tpu.memory_space<vmem>>
          %dma_start3A_124 = arith.constant 0 : i32
          %dma_start3A_125 = arith.constant 0 : i32
          %dma_start3A_126 = tpu.memref_slice %arg14[%dma_start3A_124, %dma_start3A_125] : memref<10112x16xf32, #tpu.memory_space<vmem_shared>> -> memref<10112x16xf32, #tpu.memory_space<vmem_shared>>
          tpu.enqueue_indirect_dma source(%dma_start3A_122 : memref<128x16xf32, #tpu.memory_space<vmem>>) target(%dma_start3A_126 : memref<10112x16xf32, #tpu.memory_space<vmem_shared>>) offsets(%dma_start3A_123 : memref<128xi32, #tpu.memory_space<vmem>>) semaphore(%arg18 : memref<!tpu.dma_semaphore, #tpu.memory_space<semaphore_mem>>) {add = true}
          %dma_start3A_127 = arith.constant 0 : i32
          %dma_start3A_128 = tpu.memref_slice %arg8[%mul3A_118, %dma_start3A_127] : memref<2048x16xf32, #tpu.memory_space<vmem>> -> memref<128x16xf32, #tpu.memory_space<vmem>>
          %dma_start3A_129 = tpu.memref_slice %arg12[%mul3A_120] : memref<2048xi32, #tpu.memory_space<vmem>> -> memref<128xi32, #tpu.memory_space<vmem>>
          %dma_start3A_130 = arith.constant 0 : i32
          %dma_start3A_131 = arith.constant 0 : i32
          %dma_start3A_132 = tpu.memref_slice %arg15[%dma_start3A_130, %dma_start3A_131] : memref<10112x16xf32, #tpu.memory_space<vmem_shared>> -> memref<10112x16xf32, #tpu.memory_space<vmem_shared>>
          tpu.enqueue_indirect_dma source(%dma_start3A_128 : memref<128x16xf32, #tpu.memory_space<vmem>>) target(%dma_start3A_132 : memref<10112x16xf32, #tpu.memory_space<vmem_shared>>) offsets(%dma_start3A_129 : memref<128xi32, #tpu.memory_space<vmem>>) semaphore(%arg18 : memref<!tpu.dma_semaphore, #tpu.memory_space<semaphore_mem>>) {add = true}
          %scan3A_133 = arith.constant 0 : i32
          scf.yield %scan3A_133 : i32
        }
        %scan3A_102 = arith.constant 16 : i32
        %dma_wait3A_103 = arith.constant 0 : i32
        %dma_wait3A_104 = arith.constant 0 : i32
        %dma_wait3A_105 = tpu.memref_slice %arg2[%dma_wait3A_103, %dma_wait3A_104] : memref<320000x16xf32, #tpu.memory_space<hbm>> -> memref<2048x16xf32, #tpu.memory_space<hbm>>
        %dma_wait3A_106 = arith.constant 0 : i32
        %dma_wait3A_107 = arith.constant 0 : i32
        %dma_wait3A_108 = tpu.memref_slice %arg2[%dma_wait3A_106, %dma_wait3A_107] : memref<320000x16xf32, #tpu.memory_space<hbm>> -> memref<2048x16xf32, #tpu.memory_space<hbm>>
        tpu.wait_dma2 semaphore(%arg18 : memref<!tpu.dma_semaphore, #tpu.memory_space<semaphore_mem>>) src(%dma_wait3A_108 : memref<2048x16xf32, #tpu.memory_space<hbm>>) dst(%arg8 : memref<2048x16xf32, #tpu.memory_space<vmem>>)
        %dma_wait3A_109 = arith.constant 0 : i32
        %dma_wait3A_110 = arith.constant 0 : i32
        %dma_wait3A_111 = tpu.memref_slice %arg2[%dma_wait3A_109, %dma_wait3A_110] : memref<320000x16xf32, #tpu.memory_space<hbm>> -> memref<2048x16xf32, #tpu.memory_space<hbm>>
        %dma_wait3A_112 = arith.constant 0 : i32
        %dma_wait3A_113 = arith.constant 0 : i32
        %dma_wait3A_114 = tpu.memref_slice %arg2[%dma_wait3A_112, %dma_wait3A_113] : memref<320000x16xf32, #tpu.memory_space<hbm>> -> memref<2048x16xf32, #tpu.memory_space<hbm>>
        tpu.wait_dma2 semaphore(%arg18 : memref<!tpu.dma_semaphore, #tpu.memory_space<semaphore_mem>>) src(%dma_wait3A_114 : memref<2048x16xf32, #tpu.memory_space<hbm>>) dst(%arg8 : memref<2048x16xf32, #tpu.memory_space<vmem>>)
      } else {
      }
      %jit3A_54 = arith.constant 2 : i32
      %eq3A_55 = arith.constant 0 : i32
      %eq3A_56 = arith.cmpi eq, %jit3A_54, %eq3A_55 : i32
      %jit3A_57 = arith.constant 1 : i32
      %select_n3A_58 = arith.select %eq3A_56, %jit3A_57, %jit3A_54 : i32
      %rem3A_59 = arith.remsi %scan3A_36, %select_n3A_58 : i32
      %ne3A_60 = arith.constant 0 : i32
      %ne3A_61 = arith.cmpi ne, %rem3A_59, %ne3A_60 : i32
      %lt3A_62 = arith.constant 0 : i32
      %lt3A_63 = arith.cmpi slt, %rem3A_59, %lt3A_62 : i32
      %lt3A_64 = arith.constant 0 : i32
      %lt3A_65 = arith.cmpi slt, %select_n3A_58, %lt3A_64 : i32
      %ne3A_66 = arith.xori %lt3A_63, %lt3A_65 : i1
      %and3A_67 = arith.andi %ne3A_66, %ne3A_61 : i1
      %add3A_68 = arith.addi %rem3A_59, %select_n3A_58 : i32
      %select_n3A_69 = arith.select %and3A_67, %add3A_68, %rem3A_59 : i32
      %eq3A_70 = arith.constant 1 : i32
      %eq3A_71 = arith.cmpi eq, %select_n3A_69, %eq3A_70 : i32
      %convert_element_type3A_72 = arith.extui %eq3A_71 : i1 to i32
      %cond3A_73 = arith.constant 0 : i32
      %cond3A_74 = arith.cmpi ne, %convert_element_type3A_72, %cond3A_73 : i32
      scf.if %cond3A_74 {
        %dma_wait3A = arith.constant 0 : i32
        %dma_wait3A_76 = arith.constant 0 : i32
        %dma_wait3A_77 = tpu.memref_slice %arg2[%dma_wait3A, %dma_wait3A_76] : memref<320000x16xf32, #tpu.memory_space<hbm>> -> memref<2048x16xf32, #tpu.memory_space<hbm>>
        %dma_wait3A_78 = arith.constant 0 : i32
        %dma_wait3A_79 = arith.constant 0 : i32
        %dma_wait3A_80 = tpu.memref_slice %arg2[%dma_wait3A_78, %dma_wait3A_79] : memref<320000x16xf32, #tpu.memory_space<hbm>> -> memref<2048x16xf32, #tpu.memory_space<hbm>>
        tpu.wait_dma2 semaphore(%arg17 : memref<!tpu.dma_semaphore, #tpu.memory_space<semaphore_mem>>) src(%dma_wait3A_80 : memref<2048x16xf32, #tpu.memory_space<hbm>>) dst(%arg9 : memref<2048x16xf32, #tpu.memory_space<vmem>>)
        %dma_wait3A_81 = arith.constant 0 : i32
        %dma_wait3A_82 = tpu.memref_slice %arg3[%dma_wait3A_81] : memref<327680xi32, #tpu.memory_space<hbm>> -> memref<2048xi32, #tpu.memory_space<hbm>>
        %dma_wait3A_83 = arith.constant 0 : i32
        %dma_wait3A_84 = tpu.memref_slice %arg3[%dma_wait3A_83] : memref<327680xi32, #tpu.memory_space<hbm>> -> memref<2048xi32, #tpu.memory_space<hbm>>
        tpu.wait_dma2 semaphore(%arg17 : memref<!tpu.dma_semaphore, #tpu.memory_space<semaphore_mem>>) src(%dma_wait3A_84 : memref<2048xi32, #tpu.memory_space<hbm>>) dst(%arg11 : memref<2048xi32, #tpu.memory_space<vmem>>)
        %dma_wait3A_85 = arith.constant 0 : i32
        %dma_wait3A_86 = tpu.memref_slice %arg4[%dma_wait3A_85] : memref<327680xi32, #tpu.memory_space<hbm>> -> memref<2048xi32, #tpu.memory_space<hbm>>
        %dma_wait3A_87 = arith.constant 0 : i32
        %dma_wait3A_88 = tpu.memref_slice %arg4[%dma_wait3A_87] : memref<327680xi32, #tpu.memory_space<hbm>> -> memref<2048xi32, #tpu.memory_space<hbm>>
        tpu.wait_dma2 semaphore(%arg17 : memref<!tpu.dma_semaphore, #tpu.memory_space<semaphore_mem>>) src(%dma_wait3A_88 : memref<2048xi32, #tpu.memory_space<hbm>>) dst(%arg13 : memref<2048xi32, #tpu.memory_space<vmem>>)
        %add3A_89 = arith.constant 1 : i32
        %add3A_90 = arith.addi %scan3A_36, %add3A_89 : i32
        %lt3A_91 = arith.constant 5 : i32
        %lt3A_92 = arith.cmpi slt, %add3A_90, %lt3A_91 : i32
        %convert_element_type3A_93 = arith.extui %lt3A_92 : i1 to i32
        %cond3A_94 = arith.constant 0 : i32
        %cond3A_95 = arith.cmpi ne, %convert_element_type3A_93, %cond3A_94 : i32
        scf.if %cond3A_95 {
          %add3A_115 = arith.constant 1 : i32
          %add3A_116 = arith.addi %scan3A_36, %add3A_115 : i32
          %mul3A_117 = arith.constant 10240 : i32
          %mul3A_118 = arith.muli %add3A, %mul3A_117 : i32
          %mul3A_119 = arith.constant 2048 : i32
          %mul3A_120 = arith.muli %add3A_116, %mul3A_119 : i32
          %add3A_121 = arith.addi %mul3A_118, %mul3A_120 : i32
          %min3A_122 = arith.constant 317952 : i32
          %min3A_123 = arith.minsi %add3A_121, %min3A_122 : i32
          %dma_start3A_124 = arith.constant 0 : i32
          %dma_start3A_125 = tpu.memref_slice %arg2[%min3A_123, %dma_start3A_124] : memref<320000x16xf32, #tpu.memory_space<hbm>> -> memref<2048x16xf32, #tpu.memory_space<hbm>>
          %dma_start3A_126 = arith.constant 0 : i32
          %dma_start3A_127 = tpu.memref_slice %arg2[%min3A_123, %dma_start3A_126] : memref<320000x16xf32, #tpu.memory_space<hbm>> -> memref<2048x16xf32, #tpu.memory_space<hbm>>
          tpu.enqueue_dma source(%dma_start3A_127 : memref<2048x16xf32, #tpu.memory_space<hbm>>) target(%arg8 : memref<2048x16xf32, #tpu.memory_space<vmem>>) target_semaphore(%arg16 : memref<!tpu.dma_semaphore, #tpu.memory_space<semaphore_mem>>)
          %dma_start3A_128 = tpu.memref_slice %arg3[%add3A_121] : memref<327680xi32, #tpu.memory_space<hbm>> -> memref<2048xi32, #tpu.memory_space<hbm>>
          %dma_start3A_129 = tpu.memref_slice %arg3[%add3A_121] : memref<327680xi32, #tpu.memory_space<hbm>> -> memref<2048xi32, #tpu.memory_space<hbm>>
          tpu.enqueue_dma source(%dma_start3A_129 : memref<2048xi32, #tpu.memory_space<hbm>>) target(%arg10 : memref<2048xi32, #tpu.memory_space<vmem>>) target_semaphore(%arg16 : memref<!tpu.dma_semaphore, #tpu.memory_space<semaphore_mem>>)
          %dma_start3A_130 = tpu.memref_slice %arg4[%add3A_121] : memref<327680xi32, #tpu.memory_space<hbm>> -> memref<2048xi32, #tpu.memory_space<hbm>>
          %dma_start3A_131 = tpu.memref_slice %arg4[%add3A_121] : memref<327680xi32, #tpu.memory_space<hbm>> -> memref<2048xi32, #tpu.memory_space<hbm>>
          tpu.enqueue_dma source(%dma_start3A_131 : memref<2048xi32, #tpu.memory_space<hbm>>) target(%arg12 : memref<2048xi32, #tpu.memory_space<vmem>>) target_semaphore(%arg16 : memref<!tpu.dma_semaphore, #tpu.memory_space<semaphore_mem>>)
        } else {
        }
        %scan3A_96 = arith.constant 0 : i32
        %scan3A_97 = arith.constant 0 : i32
        %scan3A_98 = arith.constant 16 : i32
        %scan3A_99 = arith.addi %scan3A_97, %scan3A_98 : i32
        %scan3A_100 = arith.constant 1 : i32
        %scan3A_101 = scf.for %scan3A_115 = %scan3A_97 to %scan3A_99 step %scan3A_100 iter_args(%scan3A_116 = %scan3A_96) -> (i32)  : i32 {
          %mul3A_117 = arith.constant 128 : i32
          %mul3A_118 = arith.muli %scan3A_115, %mul3A_117 : i32
          %mul3A_119 = arith.constant 128 : i32
          %mul3A_120 = arith.muli %scan3A_115, %mul3A_119 : i32
          %dma_start3A_121 = arith.constant 0 : i32
          %dma_start3A_122 = tpu.memref_slice %arg9[%mul3A_118, %dma_start3A_121] : memref<2048x16xf32, #tpu.memory_space<vmem>> -> memref<128x16xf32, #tpu.memory_space<vmem>>
          %dma_start3A_123 = tpu.memref_slice %arg11[%mul3A_120] : memref<2048xi32, #tpu.memory_space<vmem>> -> memref<128xi32, #tpu.memory_space<vmem>>
          %dma_start3A_124 = arith.constant 0 : i32
          %dma_start3A_125 = arith.constant 0 : i32
          %dma_start3A_126 = tpu.memref_slice %arg14[%dma_start3A_124, %dma_start3A_125] : memref<10112x16xf32, #tpu.memory_space<vmem_shared>> -> memref<10112x16xf32, #tpu.memory_space<vmem_shared>>
          tpu.enqueue_indirect_dma source(%dma_start3A_122 : memref<128x16xf32, #tpu.memory_space<vmem>>) target(%dma_start3A_126 : memref<10112x16xf32, #tpu.memory_space<vmem_shared>>) offsets(%dma_start3A_123 : memref<128xi32, #tpu.memory_space<vmem>>) semaphore(%arg18 : memref<!tpu.dma_semaphore, #tpu.memory_space<semaphore_mem>>) {add = true}
          %dma_start3A_127 = arith.constant 0 : i32
          %dma_start3A_128 = tpu.memref_slice %arg9[%mul3A_118, %dma_start3A_127] : memref<2048x16xf32, #tpu.memory_space<vmem>> -> memref<128x16xf32, #tpu.memory_space<vmem>>
          %dma_start3A_129 = tpu.memref_slice %arg13[%mul3A_120] : memref<2048xi32, #tpu.memory_space<vmem>> -> memref<128xi32, #tpu.memory_space<vmem>>
          %dma_start3A_130 = arith.constant 0 : i32
          %dma_start3A_131 = arith.constant 0 : i32
          %dma_start3A_132 = tpu.memref_slice %arg15[%dma_start3A_130, %dma_start3A_131] : memref<10112x16xf32, #tpu.memory_space<vmem_shared>> -> memref<10112x16xf32, #tpu.memory_space<vmem_shared>>
          tpu.enqueue_indirect_dma source(%dma_start3A_128 : memref<128x16xf32, #tpu.memory_space<vmem>>) target(%dma_start3A_132 : memref<10112x16xf32, #tpu.memory_space<vmem_shared>>) offsets(%dma_start3A_129 : memref<128xi32, #tpu.memory_space<vmem>>) semaphore(%arg18 : memref<!tpu.dma_semaphore, #tpu.memory_space<semaphore_mem>>) {add = true}
          %scan3A_133 = arith.constant 0 : i32
          scf.yield %scan3A_133 : i32
        }
        %scan3A_102 = arith.constant 16 : i32
        %dma_wait3A_103 = arith.constant 0 : i32
        %dma_wait3A_104 = arith.constant 0 : i32
        %dma_wait3A_105 = tpu.memref_slice %arg2[%dma_wait3A_103, %dma_wait3A_104] : memref<320000x16xf32, #tpu.memory_space<hbm>> -> memref<2048x16xf32, #tpu.memory_space<hbm>>
        %dma_wait3A_106 = arith.constant 0 : i32
        %dma_wait3A_107 = arith.constant 0 : i32
        %dma_wait3A_108 = tpu.memref_slice %arg2[%dma_wait3A_106, %dma_wait3A_107] : memref<320000x16xf32, #tpu.memory_space<hbm>> -> memref<2048x16xf32, #tpu.memory_space<hbm>>
        tpu.wait_dma2 semaphore(%arg18 : memref<!tpu.dma_semaphore, #tpu.memory_space<semaphore_mem>>) src(%dma_wait3A_108 : memref<2048x16xf32, #tpu.memory_space<hbm>>) dst(%arg9 : memref<2048x16xf32, #tpu.memory_space<vmem>>)
        %dma_wait3A_109 = arith.constant 0 : i32
        %dma_wait3A_110 = arith.constant 0 : i32
        %dma_wait3A_111 = tpu.memref_slice %arg2[%dma_wait3A_109, %dma_wait3A_110] : memref<320000x16xf32, #tpu.memory_space<hbm>> -> memref<2048x16xf32, #tpu.memory_space<hbm>>
        %dma_wait3A_112 = arith.constant 0 : i32
        %dma_wait3A_113 = arith.constant 0 : i32
        %dma_wait3A_114 = tpu.memref_slice %arg2[%dma_wait3A_112, %dma_wait3A_113] : memref<320000x16xf32, #tpu.memory_space<hbm>> -> memref<2048x16xf32, #tpu.memory_space<hbm>>
        tpu.wait_dma2 semaphore(%arg18 : memref<!tpu.dma_semaphore, #tpu.memory_space<semaphore_mem>>) src(%dma_wait3A_114 : memref<2048x16xf32, #tpu.memory_space<hbm>>) dst(%arg9 : memref<2048x16xf32, #tpu.memory_space<vmem>>)
      } else {
      }
      %scan3A_75 = arith.constant 0 : i32
      scf.yield %scan3A_75 : i32
    }
    %scan3A_25 = arith.constant 5 : i32
    %barrier3A_26 = arith.constant 0 : index
    tpu.barrier barrier_id(%barrier3A_26)
    %lt3A = arith.constant 15 : i32
    %lt3A_27 = arith.cmpi slt, %arg1, %lt3A : i32
    %convert_element_type3A_28 = arith.extui %lt3A_27 : i1 to i32
    %cond3A_29 = arith.constant 0 : i32
    %cond3A_30 = arith.cmpi ne, %convert_element_type3A_28, %cond3A_29 : i32
    scf.if %cond3A_30 {
      %mul3A_36 = arith.constant 632 : i32
      %mul3A_37 = arith.muli %arg1, %mul3A_36 : i32
      "tpu.region"() ({
        %run_scoped3A = tpu.sem_alloc : memref<!tpu.dma_semaphore, #tpu.memory_space<semaphore_mem>>
        %dma_start3A_38 = arith.constant 0 : i32
        %dma_start3A_39 = arith.constant 0 : i32
        %dma_start3A_40 = tpu.memref_slice %arg6[%arg0, %dma_start3A_38, %dma_start3A_39] : memref<2x10000x16xf32, #tpu.memory_space<hbm>> -> memref<1x10000x16xf32, #tpu.memory_space<hbm>>
        %dma_start3A_41 = tpu.memref_squeeze %dma_start3A_40 : memref<1x10000x16xf32, #tpu.memory_space<hbm>> -> memref<10000x16xf32, #tpu.memory_space<hbm>>
        %dma_start3A_42 = arith.constant 0 : i32
        %dma_start3A_43 = tpu.memref_slice %dma_start3A_41[%mul3A_37, %dma_start3A_42] : memref<10000x16xf32, #tpu.memory_space<hbm>> -> memref<632x16xf32, #tpu.memory_space<hbm>>
        %dma_start3A_44 = arith.constant 0 : i32
        %dma_start3A_45 = tpu.memref_slice %arg14[%mul3A_37, %dma_start3A_44] : memref<10112x16xf32, #tpu.memory_space<vmem_shared>> -> memref<632x16xf32, #tpu.memory_space<vmem_shared>>
        tpu.enqueue_dma source(%dma_start3A_45 : memref<632x16xf32, #tpu.memory_space<vmem_shared>>) target(%dma_start3A_43 : memref<632x16xf32, #tpu.memory_space<hbm>>) target_semaphore(%run_scoped3A : memref<!tpu.dma_semaphore, #tpu.memory_space<semaphore_mem>>)
        %dma_wait3A = arith.constant 0 : i32
        %dma_wait3A_46 = arith.constant 0 : i32
        %dma_wait3A_47 = tpu.memref_slice %arg6[%arg0, %dma_wait3A, %dma_wait3A_46] : memref<2x10000x16xf32, #tpu.memory_space<hbm>> -> memref<1x10000x16xf32, #tpu.memory_space<hbm>>
        %dma_wait3A_48 = tpu.memref_squeeze %dma_wait3A_47 : memref<1x10000x16xf32, #tpu.memory_space<hbm>> -> memref<10000x16xf32, #tpu.memory_space<hbm>>
        %dma_wait3A_49 = arith.constant 0 : i32
        %dma_wait3A_50 = tpu.memref_slice %dma_wait3A_48[%mul3A_37, %dma_wait3A_49] : memref<10000x16xf32, #tpu.memory_space<hbm>> -> memref<632x16xf32, #tpu.memory_space<hbm>>
        %dma_wait3A_51 = arith.constant 0 : i32
        %dma_wait3A_52 = tpu.memref_slice %arg14[%mul3A_37, %dma_wait3A_51] : memref<10112x16xf32, #tpu.memory_space<vmem_shared>> -> memref<632x16xf32, #tpu.memory_space<vmem_shared>>
        tpu.wait_dma2 semaphore(%run_scoped3A : memref<!tpu.dma_semaphore, #tpu.memory_space<semaphore_mem>>) src(%dma_wait3A_52 : memref<632x16xf32, #tpu.memory_space<vmem_shared>>) dst(%dma_wait3A_50 : memref<632x16xf32, #tpu.memory_space<hbm>>)
        tpu.yield
      }) : () -> ()
      "tpu.region"() ({
        %run_scoped3A = tpu.sem_alloc : memref<!tpu.dma_semaphore, #tpu.memory_space<semaphore_mem>>
        %dma_start3A_38 = arith.constant 0 : i32
        %dma_start3A_39 = arith.constant 0 : i32
        %dma_start3A_40 = tpu.memref_slice %arg7[%arg0, %dma_start3A_38, %dma_start3A_39] : memref<2x10000x16xf32, #tpu.memory_space<hbm>> -> memref<1x10000x16xf32, #tpu.memory_space<hbm>>
        %dma_start3A_41 = tpu.memref_squeeze %dma_start3A_40 : memref<1x10000x16xf32, #tpu.memory_space<hbm>> -> memref<10000x16xf32, #tpu.memory_space<hbm>>
        %dma_start3A_42 = arith.constant 0 : i32
        %dma_start3A_43 = tpu.memref_slice %dma_start3A_41[%mul3A_37, %dma_start3A_42] : memref<10000x16xf32, #tpu.memory_space<hbm>> -> memref<632x16xf32, #tpu.memory_space<hbm>>
        %dma_start3A_44 = arith.constant 0 : i32
        %dma_start3A_45 = tpu.memref_slice %arg15[%mul3A_37, %dma_start3A_44] : memref<10112x16xf32, #tpu.memory_space<vmem_shared>> -> memref<632x16xf32, #tpu.memory_space<vmem_shared>>
        tpu.enqueue_dma source(%dma_start3A_45 : memref<632x16xf32, #tpu.memory_space<vmem_shared>>) target(%dma_start3A_43 : memref<632x16xf32, #tpu.memory_space<hbm>>) target_semaphore(%run_scoped3A : memref<!tpu.dma_semaphore, #tpu.memory_space<semaphore_mem>>)
        %dma_wait3A = arith.constant 0 : i32
        %dma_wait3A_46 = arith.constant 0 : i32
        %dma_wait3A_47 = tpu.memref_slice %arg7[%arg0, %dma_wait3A, %dma_wait3A_46] : memref<2x10000x16xf32, #tpu.memory_space<hbm>> -> memref<1x10000x16xf32, #tpu.memory_space<hbm>>
        %dma_wait3A_48 = tpu.memref_squeeze %dma_wait3A_47 : memref<1x10000x16xf32, #tpu.memory_space<hbm>> -> memref<10000x16xf32, #tpu.memory_space<hbm>>
        %dma_wait3A_49 = arith.constant 0 : i32
        %dma_wait3A_50 = tpu.memref_slice %dma_wait3A_48[%mul3A_37, %dma_wait3A_49] : memref<10000x16xf32, #tpu.memory_space<hbm>> -> memref<632x16xf32, #tpu.memory_space<hbm>>
        %dma_wait3A_51 = arith.constant 0 : i32
        %dma_wait3A_52 = tpu.memref_slice %arg15[%mul3A_37, %dma_wait3A_51] : memref<10112x16xf32, #tpu.memory_space<vmem_shared>> -> memref<632x16xf32, #tpu.memory_space<vmem_shared>>
        tpu.wait_dma2 semaphore(%run_scoped3A : memref<!tpu.dma_semaphore, #tpu.memory_space<semaphore_mem>>) src(%dma_wait3A_52 : memref<632x16xf32, #tpu.memory_space<vmem_shared>>) dst(%dma_wait3A_50 : memref<632x16xf32, #tpu.memory_space<hbm>>)
        tpu.yield
      }) : () -> ()
    } else {
    }
    %eq3A_31 = arith.constant 15 : i32
    %eq3A_32 = arith.cmpi eq, %arg1, %eq3A_31 : i32
    %convert_element_type3A_33 = arith.extui %eq3A_32 : i1 to i32
    %cond3A_34 = arith.constant 0 : i32
    %cond3A_35 = arith.cmpi ne, %convert_element_type3A_33, %cond3A_34 : i32
    scf.if %cond3A_35 {
      "tpu.region"() ({
        %run_scoped3A = tpu.sem_alloc : memref<!tpu.dma_semaphore, #tpu.memory_space<semaphore_mem>>
        %dma_start3A_36 = arith.constant 0 : i32
        %dma_start3A_37 = arith.constant 0 : i32
        %dma_start3A_38 = tpu.memref_slice %arg6[%arg0, %dma_start3A_36, %dma_start3A_37] : memref<2x10000x16xf32, #tpu.memory_space<hbm>> -> memref<1x10000x16xf32, #tpu.memory_space<hbm>>
        %dma_start3A_39 = tpu.memref_squeeze %dma_start3A_38 : memref<1x10000x16xf32, #tpu.memory_space<hbm>> -> memref<10000x16xf32, #tpu.memory_space<hbm>>
        %dma_start3A_40 = arith.constant 9480 : i32
        %dma_start3A_41 = arith.constant 0 : i32
        %dma_start3A_42 = tpu.memref_slice %dma_start3A_39[%dma_start3A_40, %dma_start3A_41] : memref<10000x16xf32, #tpu.memory_space<hbm>> -> memref<520x16xf32, #tpu.memory_space<hbm>>
        %dma_start3A_43 = arith.constant 9480 : i32
        %dma_start3A_44 = arith.constant 0 : i32
        %dma_start3A_45 = tpu.memref_slice %arg14[%dma_start3A_43, %dma_start3A_44] : memref<10112x16xf32, #tpu.memory_space<vmem_shared>> -> memref<520x16xf32, #tpu.memory_space<vmem_shared>>
        tpu.enqueue_dma source(%dma_start3A_45 : memref<520x16xf32, #tpu.memory_space<vmem_shared>>) target(%dma_start3A_42 : memref<520x16xf32, #tpu.memory_space<hbm>>) target_semaphore(%run_scoped3A : memref<!tpu.dma_semaphore, #tpu.memory_space<semaphore_mem>>)
        %dma_wait3A = arith.constant 0 : i32
        %dma_wait3A_46 = arith.constant 0 : i32
        %dma_wait3A_47 = tpu.memref_slice %arg6[%arg0, %dma_wait3A, %dma_wait3A_46] : memref<2x10000x16xf32, #tpu.memory_space<hbm>> -> memref<1x10000x16xf32, #tpu.memory_space<hbm>>
        %dma_wait3A_48 = tpu.memref_squeeze %dma_wait3A_47 : memref<1x10000x16xf32, #tpu.memory_space<hbm>> -> memref<10000x16xf32, #tpu.memory_space<hbm>>
        %dma_wait3A_49 = arith.constant 9480 : i32
        %dma_wait3A_50 = arith.constant 0 : i32
        %dma_wait3A_51 = tpu.memref_slice %dma_wait3A_48[%dma_wait3A_49, %dma_wait3A_50] : memref<10000x16xf32, #tpu.memory_space<hbm>> -> memref<520x16xf32, #tpu.memory_space<hbm>>
        %dma_wait3A_52 = arith.constant 9480 : i32
        %dma_wait3A_53 = arith.constant 0 : i32
        %dma_wait3A_54 = tpu.memref_slice %arg14[%dma_wait3A_52, %dma_wait3A_53] : memref<10112x16xf32, #tpu.memory_space<vmem_shared>> -> memref<520x16xf32, #tpu.memory_space<vmem_shared>>
        tpu.wait_dma2 semaphore(%run_scoped3A : memref<!tpu.dma_semaphore, #tpu.memory_space<semaphore_mem>>) src(%dma_wait3A_54 : memref<520x16xf32, #tpu.memory_space<vmem_shared>>) dst(%dma_wait3A_51 : memref<520x16xf32, #tpu.memory_space<hbm>>)
        tpu.yield
      }) : () -> ()
      "tpu.region"() ({
        %run_scoped3A = tpu.sem_alloc : memref<!tpu.dma_semaphore, #tpu.memory_space<semaphore_mem>>
        %dma_start3A_36 = arith.constant 0 : i32
        %dma_start3A_37 = arith.constant 0 : i32
        %dma_start3A_38 = tpu.memref_slice %arg7[%arg0, %dma_start3A_36, %dma_start3A_37] : memref<2x10000x16xf32, #tpu.memory_space<hbm>> -> memref<1x10000x16xf32, #tpu.memory_space<hbm>>
        %dma_start3A_39 = tpu.memref_squeeze %dma_start3A_38 : memref<1x10000x16xf32, #tpu.memory_space<hbm>> -> memref<10000x16xf32, #tpu.memory_space<hbm>>
        %dma_start3A_40 = arith.constant 9480 : i32
        %dma_start3A_41 = arith.constant 0 : i32
        %dma_start3A_42 = tpu.memref_slice %dma_start3A_39[%dma_start3A_40, %dma_start3A_41] : memref<10000x16xf32, #tpu.memory_space<hbm>> -> memref<520x16xf32, #tpu.memory_space<hbm>>
        %dma_start3A_43 = arith.constant 9480 : i32
        %dma_start3A_44 = arith.constant 0 : i32
        %dma_start3A_45 = tpu.memref_slice %arg15[%dma_start3A_43, %dma_start3A_44] : memref<10112x16xf32, #tpu.memory_space<vmem_shared>> -> memref<520x16xf32, #tpu.memory_space<vmem_shared>>
        tpu.enqueue_dma source(%dma_start3A_45 : memref<520x16xf32, #tpu.memory_space<vmem_shared>>) target(%dma_start3A_42 : memref<520x16xf32, #tpu.memory_space<hbm>>) target_semaphore(%run_scoped3A : memref<!tpu.dma_semaphore, #tpu.memory_space<semaphore_mem>>)
        %dma_wait3A = arith.constant 0 : i32
        %dma_wait3A_46 = arith.constant 0 : i32
        %dma_wait3A_47 = tpu.memref_slice %arg7[%arg0, %dma_wait3A, %dma_wait3A_46] : memref<2x10000x16xf32, #tpu.memory_space<hbm>> -> memref<1x10000x16xf32, #tpu.memory_space<hbm>>
        %dma_wait3A_48 = tpu.memref_squeeze %dma_wait3A_47 : memref<1x10000x16xf32, #tpu.memory_space<hbm>> -> memref<10000x16xf32, #tpu.memory_space<hbm>>
        %dma_wait3A_49 = arith.constant 9480 : i32
        %dma_wait3A_50 = arith.constant 0 : i32
        %dma_wait3A_51 = tpu.memref_slice %dma_wait3A_48[%dma_wait3A_49, %dma_wait3A_50] : memref<10000x16xf32, #tpu.memory_space<hbm>> -> memref<520x16xf32, #tpu.memory_space<hbm>>
        %dma_wait3A_52 = arith.constant 9480 : i32
        %dma_wait3A_53 = arith.constant 0 : i32
        %dma_wait3A_54 = tpu.memref_slice %arg15[%dma_wait3A_52, %dma_wait3A_53] : memref<10112x16xf32, #tpu.memory_space<vmem_shared>> -> memref<520x16xf32, #tpu.memory_space<vmem_shared>>
        tpu.wait_dma2 semaphore(%run_scoped3A : memref<!tpu.dma_semaphore, #tpu.memory_space<semaphore_mem>>) src(%dma_wait3A_54 : memref<520x16xf32, #tpu.memory_space<vmem_shared>>) dst(%dma_wait3A_51 : memref<520x16xf32, #tpu.memory_space<hbm>>)
        tpu.yield
      }) : () -> ()
    } else {
    }
    return
  }
}

module attributes {stable_mosaic.version = 14 : i64} {
  func.func @_tc_node_body(%arg0: i32, %arg1: memref<250x8x128xf32, #tpu.memory_space<vmem>>, %arg2: memref<128x128xf32, #tpu.memory_space<vmem>>, %arg3: memref<1x1x128xf32, #tpu.memory_space<vmem>>, %arg4: memref<250x8x128xf32, #tpu.memory_space<vmem>>) attributes {dimension_semantics = [#tpu.dimension_semantics<arbitrary>], iteration_bounds = array<i64: 5>, scalar_prefetch = 0 : i64, scratch_operands = 0 : i64, tpu.core_type = #tpu.core_type<tc>, window_params = [{transform_indices = @transform_0, window_bounds = array<i64: 250, 8, 128>}, {pipeline_mode = #tpu.pipeline_mode<synchronous>, transform_indices = @transform_1, window_bounds = array<i64: 128, 128>}, {pipeline_mode = #tpu.pipeline_mode<synchronous>, transform_indices = @transform_2, window_bounds = array<i64: 1, 1, 128>}, {transform_indices = @transform_3, window_bounds = array<i64: 250, 8, 128>}]} {
    %get3A = arith.constant 0 : index
    %get3A_0 = arith.constant 0 : index
    %get3A_1 = arith.constant 0 : index
    %get3A_2 = vector.load %arg1[%get3A, %get3A_0, %get3A_1] : memref<250x8x128xf32, #tpu.memory_space<vmem>>, vector<250x8x128xf32>
    %get3A_3 = arith.constant 0 : index
    %get3A_4 = arith.constant 0 : index
    %get3A_5 = vector.load %arg2[%get3A_3, %get3A_4] : memref<128x128xf32, #tpu.memory_space<vmem>>, vector<128x128xf32>
    %dot_general3A = arith.constant dense<0.000000e+00> : vector<250x8x128xf32>
    %dot_general3A_6 = tpu.matmul %get3A_2, %get3A_5, %dot_general3A {dimension_numbers = #tpu.dot_dimension_numbers<[2], [0], [0, 1], [1], [0, 0, 0, 1, 1, 1], [], []>, precision = #tpu.contract_precision<fp32>, transpose_lhs_hint = false} : vector<250x8x128xf32>, vector<128x128xf32>, vector<250x8x128xf32> -> vector<250x8x128xf32>
    %get3A_7 = arith.constant 0 : index
    %get3A_8 = arith.constant 0 : index
    %get3A_9 = arith.constant 0 : index
    %get3A_10 = vector.load %arg3[%get3A_7, %get3A_8, %get3A_9] : memref<1x1x128xf32, #tpu.memory_space<vmem>>, vector<1x1x128xf32>
    %add3A = vector.broadcast %get3A_10 : vector<1x1x128xf32> to vector<250x8x128xf32>
    %add3A_11 = arith.addf %dot_general3A_6, %add3A : vector<250x8x128xf32>
    %swap3A = arith.constant 0 : index
    %swap3A_12 = arith.constant 0 : index
    %swap3A_13 = arith.constant 0 : index
    %swap3A_14 = vector.load %arg4[%swap3A, %swap3A_12, %swap3A_13] : memref<250x8x128xf32, #tpu.memory_space<vmem>>, vector<250x8x128xf32>
    tpu.vector_store %arg4[%swap3A, %swap3A_12, %swap3A_13], %add3A_11 {strides = array<i32>} : memref<250x8x128xf32, #tpu.memory_space<vmem>>, vector<250x8x128xf32>,
    return
  }
  func.func @transform_0(%arg0: i32) -> (i32, i32, i32) {
    %c0_i32 = arith.constant 0 : i32
    %c0_i32_0 = arith.constant 0 : i32
    %c0_i32_1 = arith.constant 0 : i32
    return %arg0, %c0_i32, %c0_i32_0 : i32, i32, i32
  }
  func.func @transform_1(%arg0: i32) -> (i32, i32) {
    %c0_i32 = arith.constant 0 : i32
    %c0_i32_0 = arith.constant 0 : i32
    %c0_i32_1 = arith.constant 0 : i32
    return %c0_i32, %c0_i32_0 : i32, i32
  }
  func.func @transform_2(%arg0: i32) -> (i32, i32, i32) {
    %c0_i32 = arith.constant 0 : i32
    %c0_i32_0 = arith.constant 0 : i32
    %c0_i32_1 = arith.constant 0 : i32
    %c0_i32_2 = arith.constant 0 : i32
    return %c0_i32, %c0_i32_0, %c0_i32_1 : i32, i32, i32
  }
  func.func @transform_3(%arg0: i32) -> (i32, i32, i32) {
    %c0_i32 = arith.constant 0 : i32
    %c0_i32_0 = arith.constant 0 : i32
    %c0_i32_1 = arith.constant 0 : i32
    return %arg0, %c0_i32, %c0_i32_0 : i32, i32, i32
  }
}

module attributes {stable_mosaic.version = 14 : i64} {
  func.func @_tc_agg_body(%arg0: i32, %arg1: memref<1250x8x128xf32, #tpu.memory_space<vmem>>, %arg2: memref<2x1250x128xf32, #tpu.memory_space<vmem>>, %arg3: memref<2x1250x128xf32, #tpu.memory_space<vmem>>, %arg4: memref<128x8x128xf32, #tpu.memory_space<vmem>>, %arg5: memref<128x8x128xf32, #tpu.memory_space<vmem>>, %arg6: memref<1250x8x128xf32, #tpu.memory_space<vmem>>) attributes {dimension_semantics = [#tpu.dimension_semantics<arbitrary>], iteration_bounds = array<i64: 1>, scalar_prefetch = 0 : i64, scratch_operands = 0 : i64, tpu.core_type = #tpu.core_type<tc>, window_params = [{pipeline_mode = #tpu.pipeline_mode<synchronous>, transform_indices = @transform_0, window_bounds = array<i64: 1250, 8, 128>}, {pipeline_mode = #tpu.pipeline_mode<synchronous>, transform_indices = @transform_1, window_bounds = array<i64: 2, 1250, 128>}, {pipeline_mode = #tpu.pipeline_mode<synchronous>, transform_indices = @transform_2, window_bounds = array<i64: 2, 1250, 128>}, {pipeline_mode = #tpu.pipeline_mode<synchronous>, transform_indices = @transform_3, window_bounds = array<i64: 128, 8, 128>}, {pipeline_mode = #tpu.pipeline_mode<synchronous>, transform_indices = @transform_4, window_bounds = array<i64: 128, 8, 128>}, {pipeline_mode = #tpu.pipeline_mode<synchronous>, transform_indices = @transform_5, window_bounds = array<i64: 1250, 8, 128>}]} {
    %get3A = arith.constant 0 : index
    %get3A_0 = arith.constant 0 : index
    %get3A_1 = arith.constant 0 : index
    %get3A_2 = vector.load %arg2[%get3A, %get3A_0, %get3A_1] : memref<2x1250x128xf32, #tpu.memory_space<vmem>>, vector<1x1250x128xf32>
    %get3A_3 = vector.shape_cast %get3A_2 : vector<1x1250x128xf32> to vector<1250x128xf32>
    %get3A_4 = arith.constant 1 : index
    %get3A_5 = arith.constant 0 : index
    %get3A_6 = arith.constant 0 : index
    %get3A_7 = vector.load %arg2[%get3A_4, %get3A_5, %get3A_6] : memref<2x1250x128xf32, #tpu.memory_space<vmem>>, vector<1x1250x128xf32>
    %get3A_8 = vector.shape_cast %get3A_7 : vector<1x1250x128xf32> to vector<1250x128xf32>
    %add3A = arith.addf %get3A_3, %get3A_8 : vector<1250x128xf32>
    %get3A_9 = arith.constant 0 : index
    %get3A_10 = arith.constant 0 : index
    %get3A_11 = arith.constant 0 : index
    %get3A_12 = vector.load %arg3[%get3A_9, %get3A_10, %get3A_11] : memref<2x1250x128xf32, #tpu.memory_space<vmem>>, vector<1x1250x128xf32>
    %get3A_13 = vector.shape_cast %get3A_12 : vector<1x1250x128xf32> to vector<1250x128xf32>
    %get3A_14 = arith.constant 1 : index
    %get3A_15 = arith.constant 0 : index
    %get3A_16 = arith.constant 0 : index
    %get3A_17 = vector.load %arg3[%get3A_14, %get3A_15, %get3A_16] : memref<2x1250x128xf32, #tpu.memory_space<vmem>>, vector<1x1250x128xf32>
    %get3A_18 = vector.shape_cast %get3A_17 : vector<1x1250x128xf32> to vector<1250x128xf32>
    %add3A_19 = arith.addf %get3A_13, %get3A_18 : vector<1250x128xf32>
    %get3A_20 = arith.constant 0 : index
    %get3A_21 = arith.constant 0 : index
    %get3A_22 = arith.constant 0 : index
    %get3A_23 = vector.load %arg1[%get3A_20, %get3A_21, %get3A_22] : memref<1250x8x128xf32, #tpu.memory_space<vmem>>, vector<1250x8x128xf32>
    %get3A_24 = arith.constant 0 : index
    %get3A_25 = arith.constant 0 : index
    %get3A_26 = arith.constant 0 : index
    %get3A_27 = vector.load %arg4[%get3A_24, %get3A_25, %get3A_26] : memref<128x8x128xf32, #tpu.memory_space<vmem>>, vector<128x8x128xf32>
    %dot_general3A = arith.constant dense<0.000000e+00> : vector<1250x8x128xf32>
    %dot_general3A_28 = tpu.matmul %add3A, %get3A_27, %dot_general3A {dimension_numbers = #tpu.dot_dimension_numbers<[1], [0], [0], [1, 2], [0, 0, 1, 1, 1, 2], [], []>, precision = #tpu.contract_precision<fp32>, transpose_lhs_hint = false} : vector<1250x128xf32>, vector<128x8x128xf32>, vector<1250x8x128xf32> -> vector<1250x8x128xf32>
    %add3A_29 = arith.addf %get3A_23, %dot_general3A_28 : vector<1250x8x128xf32>
    %get3A_30 = arith.constant 0 : index
    %get3A_31 = arith.constant 0 : index
    %get3A_32 = arith.constant 0 : index
    %get3A_33 = vector.load %arg5[%get3A_30, %get3A_31, %get3A_32] : memref<128x8x128xf32, #tpu.memory_space<vmem>>, vector<128x8x128xf32>
    %dot_general3A_34 = arith.constant dense<0.000000e+00> : vector<1250x8x128xf32>
    %dot_general3A_35 = tpu.matmul %add3A_19, %get3A_33, %dot_general3A_34 {dimension_numbers = #tpu.dot_dimension_numbers<[1], [0], [0], [1, 2], [0, 0, 1, 1, 1, 2], [], []>, precision = #tpu.contract_precision<fp32>, transpose_lhs_hint = false} : vector<1250x128xf32>, vector<128x8x128xf32>, vector<1250x8x128xf32> -> vector<1250x8x128xf32>
    %add3A_36 = arith.addf %add3A_29, %dot_general3A_35 : vector<1250x8x128xf32>
    %swap3A = arith.constant 0 : index
    %swap3A_37 = arith.constant 0 : index
    %swap3A_38 = arith.constant 0 : index
    %swap3A_39 = vector.load %arg6[%swap3A, %swap3A_37, %swap3A_38] : memref<1250x8x128xf32, #tpu.memory_space<vmem>>, vector<1250x8x128xf32>
    tpu.vector_store %arg6[%swap3A, %swap3A_37, %swap3A_38], %add3A_36 {strides = array<i32>} : memref<1250x8x128xf32, #tpu.memory_space<vmem>>, vector<1250x8x128xf32>,
    return
  }
  func.func @transform_0(%arg0: i32) -> (i32, i32, i32) {
    %c0_i32 = arith.constant 0 : i32
    %c0_i32_0 = arith.constant 0 : i32
    %c0_i32_1 = arith.constant 0 : i32
    %c0_i32_2 = arith.constant 0 : i32
    return %c0_i32, %c0_i32_0, %c0_i32_1 : i32, i32, i32
  }
  func.func @transform_1(%arg0: i32) -> (i32, i32, i32) {
    %c0_i32 = arith.constant 0 : i32
    %c0_i32_0 = arith.constant 0 : i32
    %c0_i32_1 = arith.constant 0 : i32
    %c0_i32_2 = arith.constant 0 : i32
    return %c0_i32, %c0_i32_0, %c0_i32_1 : i32, i32, i32
  }
  func.func @transform_2(%arg0: i32) -> (i32, i32, i32) {
    %c0_i32 = arith.constant 0 : i32
    %c0_i32_0 = arith.constant 0 : i32
    %c0_i32_1 = arith.constant 0 : i32
    %c0_i32_2 = arith.constant 0 : i32
    return %c0_i32, %c0_i32_0, %c0_i32_1 : i32, i32, i32
  }
  func.func @transform_3(%arg0: i32) -> (i32, i32, i32) {
    %c0_i32 = arith.constant 0 : i32
    %c0_i32_0 = arith.constant 0 : i32
    %c0_i32_1 = arith.constant 0 : i32
    %c0_i32_2 = arith.constant 0 : i32
    return %c0_i32, %c0_i32_0, %c0_i32_1 : i32, i32, i32
  }
  func.func @transform_4(%arg0: i32) -> (i32, i32, i32) {
    %c0_i32 = arith.constant 0 : i32
    %c0_i32_0 = arith.constant 0 : i32
    %c0_i32_1 = arith.constant 0 : i32
    %c0_i32_2 = arith.constant 0 : i32
    return %c0_i32, %c0_i32_0, %c0_i32_1 : i32, i32, i32
  }
  func.func @transform_5(%arg0: i32) -> (i32, i32, i32) {
    %c0_i32 = arith.constant 0 : i32
    %c0_i32_0 = arith.constant 0 : i32
    %c0_i32_1 = arith.constant 0 : i32
    %c0_i32_2 = arith.constant 0 : i32
    return %c0_i32, %c0_i32_0, %c0_i32_1 : i32, i32, i32
  }
}

</mosaic_0001>

<sc_bundles>
// kernel: kernel.5.cloned.1.call-start
scs
__scs_entry_jumppad:
0x0: {  	(pc) =	sbr.rel $0x88, $3  }
0x1: {  	(tag) =	ssettag $0x0;
	lr =	simm.s32 $0x1  }
0x2: {  	[smem:$0x3F99] =	sst lr;
	_ =	strace $0xD0000000  }
0x3: {  	_ = 	snop  }
0x4: {  	_ = 	snop  }
0x5: {  	_ = 	snop  }
0x6: {  	_ = 	snop  }
0x7: {  	_ = 	snop  }
__scs_overlays_trampoline_lowered:
0x8: {  	[smem:$0x3FA8] =	sst s0  }
0x9: {  	[smem:$0x3FA9] =	sst s1  }
0xa: {  	[smem:$0x3FAA] =	sst s2  }
0xb: {  	[smem:$0x3FAB] =	sst s3  }
0xc: {  	[smem:$0x3FAC] =	sst s4  }
0xd: {  	[smem:$0x3FAD] =	sst s5  }
0xe: {  	[smem:$0x3FAE] =	sst s6  }
0xf: {  	[smem:$0x3FAF] =	sst s7  }
0x10: {  	[smem:$0x3FB0] =	sst s8  }
0x11: {  	[smem:$0x3FB1] =	sst s9;
	s0 =	simm.s32 @!p0 $0x0  }
0x12: {  	s1 =	sld [smem:$0x3F97];
	s0 =	simm.s32 @p0 $0x1  }
0x13: {  	[smem:$0x3FB2] =	sst s0;
	s0 =	simm.s32 @!p1 $0x0  }
0x14: {  	s2 =	sld [smem:$0x3F96];
	s0 =	simm.s32 @p1 $0x1  }
0x15: {  	[smem:$0x3FB3] =	sst s0;
	s0 =	simm.s32 @!p2 $0x0  }
0x16: {  	s3 =	sld [smem:$0x3FDB];
	s0 =	simm.s32 @p2 $0x1  }
0x17: {  	s4 =	simm.s32 $0x1BF5;
	[smem:$0x3FB5] =	sst s0  }
0x18: {  	s0 =	sld [smem:$0x3F98];
	_ =	swait.ge [sflag:s4], $0x0  }
0x19: {  	s7 =	sld [smem:$0x3F99]  }
0x1a: {  	s8 =	sadd.s32 $0xFFFFE003, lr  }
0x1b: {  	s9 =	sadd.s32 $0xFFFFFEF7, lr;
	s5 =	simm.s32 $0xFFFFFFFF;
	p2 =	slt.u32 s8, $0xFFFFF086  }
0x1c: {  	p1 =	slt.u32 s9, $0xF7A;
	s5 =	simm.s32 @!p2 $0x0  }
0x1d: {  	s5 =	simm.s32 @p1 $0x1;
	p0 =	seq.s32 s7, s2  }
0x1e: {  	s7 =	smul.u32 @!p0 $0xF7A, s2;
	p2 =	seq.s32 @!p0 s5, $0x0  }
0x1f: {  	s9 =	smul.u32 $0xF7A, s1;
	s8 =	simm.s32 @!p0 $0x1BF5;
	p2 =	por !p2, p0  }
0x20: {  	[sflag:s8] =	ssyncset.s32 @!p0 $0xFFFFF086;
	s6 =	sadd.s32 @!p0 s3, s7;
	s7 =	simm.s32 @!p0 $0x108  }
0x21: {  	s3 =	sadd.s32 s3, s9;
	s6 =	sadd.s32 @!p0 $0x88, s6;
	s7 =	simm.s32 @p2 $0x1082  }
0x22: {  	[simem:s7], [sflag:s8] =	dma.local @!p0 [hbm:s6], $0xF7A  }
0x23: {  	s9 =	sor.u32 $0xD0000000, s2;
	s6 =	simm.s32 $0x108;
	_ =	swait.ge @!p0 [sflag:s8], $0x0  }
0x24: {  	s3 =	sadd.s32 $0x88, s3;
	s6 =	simm.s32 @!p1 $0x1082;
	[sflag:s4] =	ssyncset.s32 $0xFFFFF086  }
0x25: {  	[simem:s6], [sflag:s4] =	dma.local [hbm:s3], $0xF7A  }
0x26: {  	[smem:$0x3F99] =	sst s1;
	(tag) =	ssettag s2;
	_ =	strace s9  }
0x27: {  	s1 =	sld [smem:$0x3FA9]  }
0x28: {  	s2 =	sld [smem:$0x3FAA]  }
0x29: {  	s4 =	sld [smem:$0x3FAC]  }
0x2a: {  	p0 =	seq.s32 s5, $0x0;
	s5 =	sld [smem:$0x3FAD]  }
0x2b: {  	s6 =	sld [smem:$0x3FAE]  }
0x2c: {  	s7 =	sld [smem:$0x3FAF]  }
0x2d: {  	s3 =	simm.s32 $0x108;
	s8 =	sld [smem:$0x3FB0]  }
0x2e: {  	s3 =	simm.s32 @!p0 $0x1082;
	s9 =	sld [smem:$0x3FB1]  }
0x2f: {  	lr =	sadd.s32 s0, s3;
	s0 =	sld [smem:$0x3FA8]  }
0x30: {  	s3 =	sld [smem:$0x3FAB]  }
0x31: {  	[smem:$0x3FB4] =	sst s10  }
0x32: {  	s10 =	sld [smem:$0x3FB2];
	_ =	sdelay $0x3  }
0x33: {  	p0 =	seq.s32 s10, $0x1;
	s10 =	sld [smem:$0x3FB4];
	_ =	sdelay $0x3  }
0x34: {  	[smem:$0x3FB4] =	sst s10  }
0x35: {  	s10 =	sld [smem:$0x3FB3];
	_ =	sdelay $0x3  }
0x36: {  	p1 =	seq.s32 s10, $0x1;
	s10 =	sld [smem:$0x3FB4];
	_ =	sdelay $0x3  }
0x37: {  	[smem:$0x3FB4] =	sst s10  }
0x38: {  	s10 =	sld [smem:$0x3FB5]  }
0x39: {  	_ = 	snop;
	(pc) =	sbr.ind lr, $3  }
0x3a: {  	_ = 	snop  }
0x3b: {  	_ = 	snop  }
0x3c: {  	p2 =	seq.s32 s10, $0x1;
	s10 =	sld [smem:$0x3FB4]  }
0x3d: {  	_ =	shalt  }
0x3e: {  	_ =	shalt  }
0x3f: {  	_ =	shalt  }
0x40: {  	_ =	shalt  }
0x41: {  	_ =	shalt  }
0x42: {  	_ =	shalt  }
0x43: {  	_ =	shalt  }
0x44: {  	_ =	shalt  }
0x45: {  	_ =	shalt  }
0x46: {  	_ =	shalt  }
0x47: {  	_ =	shalt  }
0x48: {  	_ =	shalt  }
0x49: {  	_ =	shalt  }
0x4a: {  	_ =	shalt  }
0x4b: {  	_ =	shalt  }
0x4c: {  	_ =	shalt  }
0x4d: {  	_ =	shalt  }
0x4e: {  	_ =	shalt  }
0x4f: {  	_ =	shalt  }
0x50: {  	_ =	shalt  }
0x51: {  	_ =	shalt  }
0x52: {  	_ =	shalt  }
0x53: {  	_ =	shalt  }
0x54: {  	_ =	shalt  }
0x55: {  	_ =	shalt  }
0x56: {  	_ =	shalt  }
0x57: {  	_ =	shalt  }
0x58: {  	_ =	shalt  }
0x59: {  	_ =	shalt  }
0x5a: {  	_ =	shalt  }
0x5b: {  	_ =	shalt  }
0x5c: {  	_ =	shalt  }
0x5d: {  	_ =	shalt  }
0x5e: {  	_ =	shalt  }
0x5f: {  	_ =	shalt  }
0x60: {  	_ =	shalt  }
0x61: {  	_ =	shalt  }
0x62: {  	_ =	shalt  }
0x63: {  	_ =	shalt  }
0x64: {  	_ =	shalt  }
0x65: {  	_ =	shalt  }
0x66: {  	_ =	shalt  }
0x67: {  	_ =	shalt  }
0x68: {  	_ =	shalt  }
0x69: {  	_ =	shalt  }
0x6a: {  	_ =	shalt  }
0x6b: {  	_ =	shalt  }
0x6c: {  	_ =	shalt  }
0x6d: {  	_ =	shalt  }
0x6e: {  	_ =	shalt  }
0x6f: {  	_ =	shalt  }
0x70: {  	_ =	shalt  }
0x71: {  	_ =	shalt  }
0x72: {  	_ =	shalt  }
0x73: {  	_ =	shalt  }
0x74: {  	_ =	shalt  }
0x75: {  	_ =	shalt  }
0x76: {  	_ =	shalt  }
0x77: {  	_ =	shalt  }
0x78: {  	_ =	shalt  }
0x79: {  	_ =	shalt  }
0x7a: {  	_ =	shalt  }
0x7b: {  	_ =	shalt  }
0x7c: {  	_ =	shalt  }
0x7d: {  	_ =	shalt  }
0x7e: {  	_ =	shalt  }
0x7f: {  	_ =	shalt  }
0x80: {  	_ =	shalt  }
0x81: {  	_ =	shalt  }
0x82: {  	_ =	shalt  }
0x83: {  	_ =	shalt  }
0x84: {  	_ =	shalt  }
0x85: {  	_ =	shalt  }
0x86: {  	_ =	shalt  }
0x87: {  	_ =	shalt  }
.Lfunc_end0:
.L_simem_size_0:
called_computation_lowered:
.L_overlay_start_0:
0x88: {  	s2 =	sld [smem:$0x3FD9]  }
0x89: {  	s3 =	sld [smem:$0x3FFE];
	_ =	sdelay $0x1  }
0x8a: {  	s1 =	srdreg.scid  }
0x8b: {  	s0 =	sand.u32 $0x1, s1  }
0x8c: {  	s17 =	sshll.u32 s0, $0xA;
	s2 =	sadd.s32 s3, s2  }
0x8d: {  	s2 =	sadd.s32 s2, s17  }
0x8e: {  	[smem:$0x3FC0] =	sst s2  }
0x8f: {  	_ = 	snop  }
0x90: {  	s2 =	sld [smem:$0x3FD0];
	(tm) =	ssettm $0x1  }
0x91: {  	s18 =	sld [smem:$0x3FFB];
	_ =	sdelay $0x3  }
0x92: {  	_ =	strace s18  }
0x93: {  	s3 =	sld [smem:$0x3FFC];
	_ =	sdelay $0x3  }
0x94: {  	_ =	strace s3  }
0x95: {  	s3 =	sld [smem:$0x3FFD];
	_ =	sdelay $0x3  }
0x96: {  	_ =	strace s3  }
0x97: {  	_ =	strace $0x8FFFFFFF  }
0x98: {  	s19 =	sld [smem:$0x3FDB];
	_ =	sdelay $0x1  }
0x99: {  	s4 =	simm.s32 $_scs_section_size  }
0x9a: {  	s5 =	simm.s32 $_size__tile_overlayer_lowered;
	s6 =	simm.s32 $_tile_overlayer_lowered  }
0x9b: {  	s22 =	simm.s32 $0x1BFF;
	s21 =	sshll.u32 s6, $0x1;
	s3 =	sadd.s32 s4, s19  }
0x9c: {  	s7 =	simm.s32 $0x0;
	s20 =	sshll.u32 s5, $0x1;
	s5 =	sadd.s32 s21, s3  }
0x9d: {  	[timem:s7], [sflag:s22] =	dma.local [hbm:s5], s20  }
0x9e: {  	_ =	swait.ge [sflag:s22], s20  }
0x9f: {  	s4 =	ssub.s32 $0x0, s20;
	[sflag:s22] =	ssyncset.done $0x0  }
0xa0: {  	[sflag:s22] =	ssyncadd.s32 s4;
	_ =	sdelay $0x1  }
0xa1: {  	s23 =	simm.s32 $0x1B8B  }
0xa2: {  	_ =	swait.ge [sflag:s23], $0x1  }
0xa3: {  	[sflag:s23] =	ssyncset.done $0x0  }
0xa4: {  	s25 =	simm.s32 $0x1B8E;
	s24 =	sld [smem:$0x3FFE];
	[sflag:s23] =	ssyncadd.s32 $0xFFFFFFFF  }
0xa5: {  	s26 =	simm.s32 $execute0_lowered;
	[smem:$0x3FD2] =	sst s25  }
0xa6: {  	s5 =	sshll.u32 s26, $0x1;
	_ =	strace $0x80000046;
	[dreg:$0x1] =	wrdreg $0xFFFFFFFF  }
0xa7: {  	s28 =	simm.s32 $_size_execute0_lowered;
	s3 =	sadd.s32 s3, s5;
	[dreg:$0x0] =	wrdreg $0x0  }
0xa8: {  	s5 =	sshll.u32 s28, $0x1;
	[dreg:$0x2] =	wrdreg s3  }
0xa9: {  	[dreg:$0x3] =	wrdreg s5  }
0xaa: {  	[dreg:$0x4] =	wrdreg $0xC0  }
0xab: {  	_ =	task [dreg:s7], $0x5FFFF  }
0xac: {  	[dreg:$0x1] =	wrdreg $0xFFFFFFFF  }
0xad: {  	[dreg:$0x0] =	wrdreg $0x60  }
0xae: {  	[dreg:$0x2] =	wrdreg s24  }
0xaf: {  	[dreg:$0x3] =	wrdreg s2  }
0xb0: {  	[dreg:$0x4] =	wrdreg $0x120000  }
0xb1: {  	[dreg:$0x5] =	wrdreg $0x147800  }
0xb2: {  	[dreg:$0x6] =	wrdreg $0x9  }
0xb3: {  	_ =	task.clear_ibuf [dreg:s7], $0x7FFFF;
	_ =	strace $0x90000046  }
0xb4: {  	s29 =	simm.s32 $0x9;
	_ =	strace $0x80000048  }
0xb5: {  	_ =	swait.ge [sflag:s29], $0x1  }
0xb6: {  	[sflag:s29] =	ssyncadd.s32 $0xFFFFFFFF  }
0xb7: {  	_ =	strace $0x90000048  }
0xb8: {  	_ =	sfence  }
0xb9: {  	s30 =	sld [smem:$0x0];
	_ =	sdelay $0x2  }
0xba: {  	s31 =	sshll.u32 s1, $0xD;
	s1 =	sshrl.u32 s1, $0x2  }
0xbb: {  	s3 =	sand.u32 $0x4000, s31;
	s1 =	sadd.s32 s1, s30  }
0xbc: {  	s0 =	sor.u32 s3, s0;
	s1 =	sshll.u32 s1, $0x11  }
0xbd: {  	s0 =	sor.u32 s1, s0  }
0xbe: {  	s0 =	sadd.s32 $0x8F2B, s0  }
0xbf: {  	[sflag:s0] =	ssyncadd.remote.s32 $0x1  }
0xc0: {  	_ =	sfence.sel $0xFFFF  }
0xc1: {  	[dreg:$0x0] =	wrdreg $0xFFFFFFFF;
	(pc) =	sbr.abs _section_cstart, $3  }
0xc2: {  	[dreg:$0x1] =	wrdreg $0xFFFFFFFF  }
0xc3: {  	_ =	task.clear_ibuf [dreg:s7], $0x2FFFF;
	_ =	strace $0x9FFFFFFF  }
0xc4: {  	(tm) =	ssettm $0x7FFFFFFF  }
0xc5: {  	_ =	shalt  }
tec
execute0_lowered:
.L_overlay_start_1:
0x0: {  	(tag) =	ssettag $0x1  }
0x1: {  	s0 =	rddreg [dreg:$0x0]  }
0x2: {  	s10 =	rddreg [dreg:$0x1]  }
0x3: {  	s2 =	rddreg [dreg:$0x2]  }
0x4: {  	s3 =	rddreg [dreg:$0x3];
	s1 =	simm.s32 $0x0  }
0x5: {  	s16 =	srdreg.scid;
	s11 =	stileid.u32;
	s28 =	simm.s32 $0x80  }
0x6: {  	s30 =	simm.s32 $0x8000;
	s13 =	simm.s32 $0xB000;
	s15 =	simm.s32 $0xD000  }
0x7: {  	s12 =	simm.s32 $0xF800;
	s29 =	simm.s32 $0x3;
	s31 =	simm.s32 $0x1  }
0x8: {  	[smem:$0x7FF] =	sst s1;
	s1 =	sand.u32 $0x1, s16;
	s5 =	sadd.s32 $0x4E4E00, s0  }
0x9: {  	s7 =	sadd.s32 $0x2E00, s0;
	s8 =	sadd.s32 $0xCE00, s0;
	s20 =	smul.u32 $0x2780, s11  }
0xa: {  	s24 =	smul.u32 $0x2800, s11;
	p0 =	seq.s32 s11, $0x1;
	s26 =	sshrl.u32 s3, $0x3  }
0xb: {  	p2 =	seq.s32 s11, $0xF;
	p1 =	sne.s32 s11, $0x0;
	s16 =	simm.s32 $0xA000  }
0xc: {  	_ =	strace $0x80000047;
	s4 =	sshll.u32 s1, $0x4;
	s6 =	smul.u32 $0x4E20, s1  }
0xd: {  	[dreg:$0x5] =	wrdreg s8;
	s17 =	ssub.s32 $0x2, s1;
	s1 =	smul.u32 $0x28000, s1  }
0xe: {  	[dreg:$0xe] =	wrdreg s26;
	s26 =	simm.s32 $0x2;
	s4 =	sor.u32 s11, s4  }
0xf: {  	s18 =	sshrl.u32 s17, $0x1;
	s25 =	sshrl.u32 s20, $0x3;
	s8 =	sadd.s32 s20, s2  }
0x10: {  	s11 =	simm.s32 $0x9800;
	s9 =	smul.u32 $0x2800, s4;
	s0 =	sadd.s32 s6, s0  }
0x11: {  	s4 =	smul.u32 $0x5000, s4;
	s6 =	ssub.s32 s17, s18;
	[dreg:$0xa] =	wrdreg s25  }
0x12: {  	s1 =	sadd.s32 s24, s1;
	s18 =	simm.s32 $0x8800;
	s24 =	simm.s32 $0xA800  }
0x13: {  	s25 =	simm.s32 $0xD800;
	s17 =	simm.s32 $0xE800;
	s23 =	sadd.s32 $0x1BC00, s0  }
0x14: {  	s0 =	sadd.s32 $0x11E00, s0;
	s6 =	smax.u32 s6, $0x1;
	[dreg:$0x9] =	wrdreg s23  }
0x15: {  	s1 =	sadd.s32 $0x800, s1;
	s19 =	sshrl.u32 s9, $0x3;
	[dreg:$0xb] =	wrdreg s0  }
0x16: {  	s4 =	sadd.s32 s5, s4;
	s0 =	sadd.s32 s20, s3;
	[dreg:$0xc] =	wrdreg s6  }
0x17: {  	s9 =	sadd.s32 $0x25080, s2;
	[dreg:$0xd] =	wrdreg s1;
	s20 =	simm.s32 $0xE000  }
0x18: {  	[dreg:$0x6] =	wrdreg s4;
	s21 =	sadd.s32 s7, s19;
	s22 =	sadd.s32 s10, s19  }
0x19: {  	s4 =	sadd.s32 $0x25080, s3;
	s1 =	sshrl.u32 @p2 s9, $0x3;
	[dreg:$0x7] =	wrdreg s21  }
.Ltmp0:
0x1a: {  	s0 =	sshrl.u32 @!p2 s0, $0x3;
	[dreg:$0x8] =	wrdreg s22;
	(pc) =	sbr.rel .LBB2_1-.Ltmp0, $4  }
0x1b: {  	s9 =	simm.s32 $0xC800;
	s19 =	simm.s32 $0xF000;
	[dreg:$0xf] =	wrdreg s1  }
0x1c: {  	s10 =	simm.s32 $0x0;
	s1 =	sshrl.u32 @p2 s4, $0x3;
	[dreg:$0x12] =	wrdreg s0  }
0x1d: {  	s21 =	simm.s32 $0xB800;
	[dreg:$0x10] =	wrdreg s1;
	s1 =	sshrl.u32 @!p2 s8, $0x3  }
0x1e: {  	s0 =	simm.s32 $0xC000;
	s8 =	simm.s32 $0x9000;
	[dreg:$0x11] =	wrdreg s1  }
.LBB2_11:
0x1f: {  	[bflag:$0x0] =	sbarrier.arrive $0xFFFF  }
0x20: {  	s10 =	rddreg [dreg:$0x9]  }
0x21: {  	s4 =	simm.s32 @p2 $0x1FC4;
	s6 =	rddreg [dreg:$0xf];
	s1 =	sadd.s32 @p2 $0x4A10, s10  }
0x22: {  	[hbm:s1], [sflag:s4] =	dma.local @p2 [spmem:s6], $0x410  }
0x23: {  	s1 =	simm.s32 @p2 $0x4  }
0x24: {  	_ =	swait.ge @p2 [sflag:s1], $0x410  }
0x25: {  	[sflag:s1] =	ssyncset.done @p2 $0x0;
	s14 =	rddreg [dreg:$0xb]  }
0x26: {  	s22 =	rddreg [dreg:$0x10];
	[sflag:s1] =	ssyncadd.s32 @p2 $0xFFFFFBF0;
	s6 =	sadd.s32 @p2 $0x4A10, s14  }
0x27: {  	[hbm:s6], [sflag:s4] =	dma.local @p2 [spmem:s22], $0x410  }
0x28: {  	s4 =	stileid.u32  }
0x29: {  	_ =	swait.ge @p2 [sflag:s1], $0x410;
	s4 =	sshll.u32 @!p2 s4, $0x6  }
0x2a: {  	[sflag:s1] =	ssyncset.done @p2 $0x0;
	s6 =	rddreg [dreg:$0xa];
	s4 =	sor.u32 @!p2 $0x1C04, s4  }
0x2b: {  	[sflag:s1] =	ssyncadd.s32 @p2 $0xFFFFFBF0;
	s1 =	sadd.s32 @!p2 s6, s10;
	s10 =	rddreg [dreg:$0x11]  }
0x2c: {  	[hbm:s1], [sflag:s4] =	dma.local @!p2 [spmem:s10], $0x4F0  }
0x2d: {  	s1 =	simm.s32 @!p2 $0x4  }
0x2e: {  	_ =	swait.ge @!p2 [sflag:s1], $0x4F0  }
0x2f: {  	[sflag:s1] =	ssyncset.done @!p2 $0x0  }
0x30: {  	s6 =	sadd.s32 @!p2 s6, s14;
	s10 =	rddreg [dreg:$0x12];
	[sflag:s1] =	ssyncadd.s32 @!p2 $0xFFFFFB10  }
0x31: {  	[hbm:s6], [sflag:s4] =	dma.local @!p2 [spmem:s10], $0x4F0  }
0x32: {  	_ =	swait.ge @!p2 [sflag:s1], $0x4F0  }
0x33: {  	s22 =	rddreg [dreg:$0x13]  }
0x34: {  	s23 =	rddreg [dreg:$0xc];
	s10 =	sadd.s32 $0x1, s22  }
0x35: {  	p3 =	sne.s32 s10, s23  }
.Ltmp1:
0x36: {  	_ = 	snop;
	(pc) =	sbr.rel @!p3 .LBB2_12-.Ltmp1, $3  }
0x37: {  	_ =	sdelay $0x1  }
0x38: {  	[sflag:s1] =	ssyncset.done @!p2 $0x0  }
0x39: {  	[sflag:s1] =	ssyncadd.s32 @!p2 $0xFFFFFB10  }
.LBB2_1:
.Ltmp2:
0x3a: {  	(pc) =	sbr.rel @p0 .LBB2_4-.Ltmp2, $1  }
0x3b: {  	_ =	sdelay $0x3  }
.Ltmp3:
0x3c: {  	(pc) =	sbr.rel @p1 .LBB2_6-.Ltmp3, $1  }
0x3d: {  	_ =	sdelay $0x3  }
.Ltmp4:
0x3e: {  	(pc) =	sbr.rel .LBB2_5-.Ltmp4, $3  }
0x3f: {  	_ =	sdelay $0x1  }
0x40: {  	s4 =	sshrl.u32 s2, $0x3;
	s1 =	rddreg [dreg:$0x5];
	s6 =	simm.s32 $0x1C04  }
0x41: {  	[spmem:s4], [sflag:s6] =	dma.local [hbm:s1], $0x4F00  }
.LBB2_4:
0x42: {  	s1 =	rddreg [dreg:$0x5]  }
0x43: {  	s4 =	rddreg [dreg:$0xe];
	s6 =	simm.s32 $0x1C44  }
0x44: {  	[spmem:s4], [sflag:s6] =	dma.local [hbm:s1], $0x4F00  }
.LBB2_5:
0x45: {  	s1 =	simm.s32 $0x4  }
0x46: {  	_ =	swait.ge [sflag:s1], $0x4F00  }
0x47: {  	[sflag:s1] =	ssyncset.done $0x0  }
0x48: {  	[sflag:s1] =	ssyncadd.s32 $0xFFFFB100  }
.LBB2_6:
0x49: {  	[dreg:$0x13] =	wrdreg s10  }
0x4a: {  	[bflag:$0x0] =	sbarrier.arrive $0xFFFF  }
0x4b: {  	s10 =	simm.s32 $0x0;
	s1 =	rddreg [dreg:$0x6]  }
0x4c: {  	[tilespmem:s10], [sflag:$0x1] =	stream.linear.gather [hbm4b:s1+s10], $0x8000, $0x38;
	[tilespmem:$0x16F00] =	vst v63  }
.Ltmp5:
0x4d: {  	s4 =	simm.s32 $0x10000;
	s14 =	rddreg [dreg:$0x7];
	(pc) =	sbr.rel .LBB2_7-.Ltmp5, $4  }
0x4e: {  	[tilespmem:s4], [sflag:$0x1] =	stream.linear.gather [hbm4b:s14+s10], $0x800, $0x38;
	[tilespmem:$0x16F00] =	vst v63  }
0x4f: {  	s23 =	simm.s32 $0x11000;
	s22 =	rddreg [dreg:$0x8]  }
0x50: {  	[tilespmem:s23], [sflag:$0x1] =	stream.linear.gather [hbm4b:s22+s10], $0x800, $0x38;
	[tilespmem:$0x16F00] =	vst v63  }
0x51: {  	s23 =	rddreg [dreg:$0xd]  }
.LBB2_9:
0x52: {  	_ =	swait.ge [sflag:s26], $0x8000  }
0x53: {  	[sflag:s26] =	ssyncset.done $0x0  }
0x54: {  	[sflag:s26] =	ssyncadd.s32 $0xFFFF8000  }
0x55: {  	p3 =	seq.s32 s10, $0x4;
	_ =	swait.ge [sflag:s26], $0x800  }
0x56: {  	p4 =	slt.s32 @!p3 s23, $0x4DA00;
	[sflag:s26] =	ssyncset.done $0x0  }
0x57: {  	s1 =	smov.u32 s23;
	p4 =	por !p4, p3;
	[sflag:s26] =	ssyncadd.s32 $0xFFFFF800  }
0x58: {  	s1 =	simm.s32 @p4 $0x4DA00;
	_ =	swait.ge [sflag:s26], $0x800  }
0x59: {  	s1 =	sshll.u32 @!p3 s1, $0x1;
	[sflag:s26] =	ssyncset.done $0x0  }
0x5a: {  	s4 =	simm.s32 @!p3 $0x0;
	s1 =	sadd.s32 @!p3 s5, s1;
	[sflag:s26] =	ssyncadd.s32 $0xFFFFF800  }
0x5b: {  	[tilespmem:s4], [sflag:$0x1] =	stream.linear.gather @!p3 [hbm4b:s1+s4], $0x8000, $0x38;
	[tilespmem:$0x16F00] =	vst v63  }
0x5c: {  	s1 =	sshrl.u32 @!p3 s23, $0x3  }
0x5d: {  	s14 =	simm.s32 @!p3 $0x10000;
	s6 =	sadd.s32 @!p3 s7, s1  }
0x5e: {  	[tilespmem:s14], [sflag:$0x1] =	stream.linear.gather @!p3 [hbm4b:s6+s4], $0x800, $0x38;
	[tilespmem:$0x16F00] =	vst v63  }
0x5f: {  	s6 =	rddreg [dreg:$0x1]  }
0x60: {  	s1 =	sadd.s32 @!p3 s6, s1;
	s6 =	simm.s32 @!p3 $0x11000  }
0x61: {  	[tilespmem:s6], [sflag:$0x1] =	stream.linear.gather @!p3 [hbm4b:s1+s4], $0x800, $0x38;
	[tilespmem:$0x16F00] =	vst v63  }
0x62: {  	s4 =	simm.s32 $0x10800  }
0x63: {  	[spmem:s2] =	stream.indirect.scatter.add.f32 [tilespmem:s30], [sflag:$0x3], $0x10, s4, s28, $0xb8;
	[tilespmem:$0x16F00] =	vst v63  }
0x64: {  	s6 =	simm.s32 $0x11800  }
0x65: {  	[spmem:s3] =	stream.indirect.scatter.add.f32 [tilespmem:s30], [sflag:$0x3], $0x10, s6, s28, $0xb8;
	[tilespmem:$0x16F00] =	vst v63  }
0x66: {  	s14 =	simm.s32 $0x10880  }
0x67: {  	[spmem:s2] =	stream.indirect.scatter.add.f32 [tilespmem:s18], [sflag:$0x3], $0x10, s14, s28, $0xb8;
	[tilespmem:$0x16F00] =	vst v63  }
0x68: {  	s22 =	simm.s32 $0x11880  }
0x69: {  	[spmem:s3] =	stream.indirect.scatter.add.f32 [tilespmem:s18], [sflag:$0x3], $0x10, s22, s28, $0xb8;
	[tilespmem:$0x16F00] =	vst v63  }
0x6a: {  	s4 =	simm.s32 $0x10900  }
0x6b: {  	[spmem:s2] =	stream.indirect.scatter.add.f32 [tilespmem:s8], [sflag:$0x3], $0x10, s4, s28, $0xb8;
	[tilespmem:$0x16F00] =	vst v63  }
0x6c: {  	s6 =	simm.s32 $0x11900  }
0x6d: {  	[spmem:s3] =	stream.indirect.scatter.add.f32 [tilespmem:s8], [sflag:$0x3], $0x10, s6, s28, $0xb8;
	[tilespmem:$0x16F00] =	vst v63  }
0x6e: {  	s14 =	simm.s32 $0x10980  }
0x6f: {  	[spmem:s2] =	stream.indirect.scatter.add.f32 [tilespmem:s11], [sflag:$0x3], $0x10, s14, s28, $0xb8;
	[tilespmem:$0x16F00] =	vst v63  }
0x70: {  	s22 =	simm.s32 $0x11980  }
0x71: {  	[spmem:s3] =	stream.indirect.scatter.add.f32 [tilespmem:s11], [sflag:$0x3], $0x10, s22, s28, $0xb8;
	[tilespmem:$0x16F00] =	vst v63  }
0x72: {  	s4 =	simm.s32 $0x10A00  }
0x73: {  	[spmem:s2] =	stream.indirect.scatter.add.f32 [tilespmem:s16], [sflag:$0x3], $0x10, s4, s28, $0xb8;
	[tilespmem:$0x16F00] =	vst v63  }
0x74: {  	s6 =	simm.s32 $0x11A00  }
0x75: {  	[spmem:s3] =	stream.indirect.scatter.add.f32 [tilespmem:s16], [sflag:$0x3], $0x10, s6, s28, $0xb8;
	[tilespmem:$0x16F00] =	vst v63  }
0x76: {  	s14 =	simm.s32 $0x10A80  }
0x77: {  	[spmem:s2] =	stream.indirect.scatter.add.f32 [tilespmem:s24], [sflag:$0x3], $0x10, s14, s28, $0xb8;
	[tilespmem:$0x16F00] =	vst v63  }
0x78: {  	s22 =	simm.s32 $0x11A80  }
0x79: {  	[spmem:s3] =	stream.indirect.scatter.add.f32 [tilespmem:s24], [sflag:$0x3], $0x10, s22, s28, $0xb8;
	[tilespmem:$0x16F00] =	vst v63  }
0x7a: {  	s4 =	simm.s32 $0x10B00  }
0x7b: {  	[spmem:s2] =	stream.indirect.scatter.add.f32 [tilespmem:s13], [sflag:$0x3], $0x10, s4, s28, $0xb8;
	[tilespmem:$0x16F00] =	vst v63  }
0x7c: {  	s6 =	simm.s32 $0x11B00  }
0x7d: {  	[spmem:s3] =	stream.indirect.scatter.add.f32 [tilespmem:s13], [sflag:$0x3], $0x10, s6, s28, $0xb8;
	[tilespmem:$0x16F00] =	vst v63  }
0x7e: {  	s14 =	simm.s32 $0x10B80  }
0x7f: {  	[spmem:s2] =	stream.indirect.scatter.add.f32 [tilespmem:s21], [sflag:$0x3], $0x10, s14, s28, $0xb8;
	[tilespmem:$0x16F00] =	vst v63  }
0x80: {  	s22 =	simm.s32 $0x11B80  }
0x81: {  	[spmem:s3] =	stream.indirect.scatter.add.f32 [tilespmem:s21], [sflag:$0x3], $0x10, s22, s28, $0xb8;
	[tilespmem:$0x16F00] =	vst v63  }
0x82: {  	s4 =	simm.s32 $0x10C00  }
0x83: {  	[spmem:s2] =	stream.indirect.scatter.add.f32 [tilespmem:s0], [sflag:$0x3], $0x10, s4, s28, $0xb8;
	[tilespmem:$0x16F00] =	vst v63  }
0x84: {  	s6 =	simm.s32 $0x11C00  }
0x85: {  	[spmem:s3] =	stream.indirect.scatter.add.f32 [tilespmem:s0], [sflag:$0x3], $0x10, s6, s28, $0xb8;
	[tilespmem:$0x16F00] =	vst v63  }
0x86: {  	s14 =	simm.s32 $0x10C80  }
0x87: {  	[spmem:s2] =	stream.indirect.scatter.add.f32 [tilespmem:s9], [sflag:$0x3], $0x10, s14, s28, $0xb8;
	[tilespmem:$0x16F00] =	vst v63  }
0x88: {  	s22 =	simm.s32 $0x11C80  }
0x89: {  	[spmem:s3] =	stream.indirect.scatter.add.f32 [tilespmem:s9], [sflag:$0x3], $0x10, s22, s28, $0xb8;
	[tilespmem:$0x16F00] =	vst v63  }
0x8a: {  	s4 =	simm.s32 $0x10D00  }
0x8b: {  	[spmem:s2] =	stream.indirect.scatter.add.f32 [tilespmem:s15], [sflag:$0x3], $0x10, s4, s28, $0xb8;
	[tilespmem:$0x16F00] =	vst v63  }
0x8c: {  	s6 =	simm.s32 $0x11D00  }
0x8d: {  	[spmem:s3] =	stream.indirect.scatter.add.f32 [tilespmem:s15], [sflag:$0x3], $0x10, s6, s28, $0xb8;
	[tilespmem:$0x16F00] =	vst v63  }
0x8e: {  	s14 =	simm.s32 $0x10D80  }
0x8f: {  	[spmem:s2] =	stream.indirect.scatter.add.f32 [tilespmem:s25], [sflag:$0x3], $0x10, s14, s28, $0xb8;
	[tilespmem:$0x16F00] =	vst v63  }
0x90: {  	s22 =	simm.s32 $0x11D80  }
0x91: {  	[spmem:s3] =	stream.indirect.scatter.add.f32 [tilespmem:s25], [sflag:$0x3], $0x10, s22, s28, $0xb8;
	[tilespmem:$0x16F00] =	vst v63  }
0x92: {  	s4 =	simm.s32 $0x10E00  }
0x93: {  	[spmem:s2] =	stream.indirect.scatter.add.f32 [tilespmem:s20], [sflag:$0x3], $0x10, s4, s28, $0xb8;
	[tilespmem:$0x16F00] =	vst v63  }
0x94: {  	s6 =	simm.s32 $0x11E00  }
0x95: {  	[spmem:s3] =	stream.indirect.scatter.add.f32 [tilespmem:s20], [sflag:$0x3], $0x10, s6, s28, $0xb8;
	[tilespmem:$0x16F00] =	vst v63  }
0x96: {  	s14 =	simm.s32 $0x10E80  }
0x97: {  	[spmem:s2] =	stream.indirect.scatter.add.f32 [tilespmem:s17], [sflag:$0x3], $0x10, s14, s28, $0xb8;
	[tilespmem:$0x16F00] =	vst v63  }
0x98: {  	s22 =	simm.s32 $0x11E80  }
0x99: {  	[spmem:s3] =	stream.indirect.scatter.add.f32 [tilespmem:s17], [sflag:$0x3], $0x10, s22, s28, $0xb8;
	[tilespmem:$0x16F00] =	vst v63  }
0x9a: {  	s4 =	simm.s32 $0x10F00  }
0x9b: {  	[spmem:s2] =	stream.indirect.scatter.add.f32 [tilespmem:s19], [sflag:$0x3], $0x10, s4, s28, $0xb8;
	[tilespmem:$0x16F00] =	vst v63  }
0x9c: {  	s6 =	simm.s32 $0x11F00  }
0x9d: {  	[spmem:s3] =	stream.indirect.scatter.add.f32 [tilespmem:s19], [sflag:$0x3], $0x10, s6, s28, $0xb8;
	[tilespmem:$0x16F00] =	vst v63  }
0x9e: {  	s14 =	simm.s32 $0x10F80  }
0x9f: {  	[spmem:s2] =	stream.indirect.scatter.add.f32 [tilespmem:s12], [sflag:$0x3], $0x10, s14, s28, $0xb8;
	[tilespmem:$0x16F00] =	vst v63  }
0xa0: {  	s22 =	simm.s32 $0x11F80  }
0xa1: {  	[spmem:s3] =	stream.indirect.scatter.add.f32 [tilespmem:s12], [sflag:$0x3], $0x10, s22, s28, $0xb8;
	[tilespmem:$0x16F00] =	vst v63  }
0xa2: {  	_ =	swait.ge [sflag:s29], $0x8000  }
0xa3: {  	[sflag:s29] =	ssyncset.done $0x0  }
0xa4: {  	[sflag:s29] =	ssyncadd.s32 $0xFFFF8000  }
0xa5: {  	_ =	swait.ge [sflag:s29], $0x8000  }
0xa6: {  	[sflag:s29] =	ssyncset.done $0x0  }
0xa7: {  	[sflag:s29] =	ssyncadd.s32 $0xFFFF8000  }
.LBB2_10:
0xa8: {  	s10 =	sadd.s32 $0x1, s10  }
0xa9: {  	p3 =	sne.s32 s10, $0x5  }
.Ltmp6:
0xaa: {  	_ = 	snop;
	(pc) =	sbr.rel @!p3 .LBB2_11-.Ltmp6, $2  }
0xab: {  	_ =	sdelay $0x2  }
0xac: {  	s23 =	sadd.s32 $0x800, s23  }
.LBB2_7:
0xad: {  	s22 =	sand.u32 $0x1, s10  }
0xae: {  	p3 =	seq.s32 s22, $0x1  }
.Ltmp7:
0xaf: {  	_ = 	snop;
	(pc) =	sbr.rel @p3 .LBB2_9-.Ltmp7, $1  }
0xb0: {  	_ =	sdelay $0x3  }
0xb1: {  	_ =	swait.ge [sflag:s31], $0x8000  }
0xb2: {  	[sflag:s31] =	ssyncset.done $0x0  }
0xb3: {  	[sflag:s31] =	ssyncadd.s32 $0xFFFF8000  }
0xb4: {  	p3 =	seq.s32 s10, $0x4;
	_ =	swait.ge [sflag:s31], $0x800  }
0xb5: {  	p4 =	slt.s32 @!p3 s23, $0x4DA00;
	[sflag:s31] =	ssyncset.done $0x0  }
0xb6: {  	s4 =	smov.u32 s23;
	p4 =	por !p4, p3;
	[sflag:s31] =	ssyncadd.s32 $0xFFFFF800  }
0xb7: {  	s4 =	simm.s32 @p4 $0x4DA00;
	_ =	swait.ge [sflag:s31], $0x800  }
0xb8: {  	s14 =	simm.s32 @!p3 $0x0;
	s4 =	sshll.u32 @!p3 s4, $0x1;
	[sflag:s31] =	ssyncset.done $0x0  }
0xb9: {  	s1 =	simm.s32 @!p3 $0x8000;
	s4 =	sadd.s32 @!p3 s5, s4;
	[sflag:s31] =	ssyncadd.s32 $0xFFFFF800  }
0xba: {  	[tilespmem:s1], [sflag:$0x2] =	stream.linear.gather @!p3 [hbm4b:s4+s14], $0x8000, $0x38;
	[tilespmem:$0x16F00] =	vst v63  }
0xbb: {  	s1 =	sshrl.u32 @!p3 s23, $0x3  }
0xbc: {  	s6 =	simm.s32 @!p3 $0x10800;
	s4 =	sadd.s32 @!p3 s7, s1  }
0xbd: {  	[tilespmem:s6], [sflag:$0x2] =	stream.linear.gather @!p3 [hbm4b:s4+s14], $0x800, $0x38;
	[tilespmem:$0x16F00] =	vst v63  }
0xbe: {  	s4 =	rddreg [dreg:$0x1]  }
0xbf: {  	s1 =	sadd.s32 @!p3 s4, s1;
	s4 =	simm.s32 @!p3 $0x11800  }
0xc0: {  	[tilespmem:s4], [sflag:$0x2] =	stream.linear.gather @!p3 [hbm4b:s1+s14], $0x800, $0x38;
	[tilespmem:$0x16F00] =	vst v63  }
0xc1: {  	s6 =	simm.s32 $0x10000;
	s1 =	simm.s32 $0x0  }
0xc2: {  	[spmem:s2] =	stream.indirect.scatter.add.f32 [tilespmem:s1], [sflag:$0x3], $0x10, s6, s28, $0xb8;
	[tilespmem:$0x16F00] =	vst v63  }
0xc3: {  	s14 =	simm.s32 $0x11000  }
0xc4: {  	[spmem:s3] =	stream.indirect.scatter.add.f32 [tilespmem:s1], [sflag:$0x3], $0x10, s14, s28, $0xb8;
	[tilespmem:$0x16F00] =	vst v63  }
0xc5: {  	s4 =	simm.s32 $0x10080;
	s6 =	simm.s32 $0x800  }
0xc6: {  	[spmem:s2] =	stream.indirect.scatter.add.f32 [tilespmem:s6], [sflag:$0x3], $0x10, s4, s28, $0xb8;
	[tilespmem:$0x16F00] =	vst v63  }
0xc7: {  	s14 =	simm.s32 $0x11080  }
0xc8: {  	[spmem:s3] =	stream.indirect.scatter.add.f32 [tilespmem:s6], [sflag:$0x3], $0x10, s14, s28, $0xb8;
	[tilespmem:$0x16F00] =	vst v63  }
0xc9: {  	s4 =	simm.s32 $0x10100;
	s6 =	simm.s32 $0x1000  }
0xca: {  	[spmem:s2] =	stream.indirect.scatter.add.f32 [tilespmem:s6], [sflag:$0x3], $0x10, s4, s28, $0xb8;
	[tilespmem:$0x16F00] =	vst v63  }
0xcb: {  	s14 =	simm.s32 $0x11100  }
0xcc: {  	[spmem:s3] =	stream.indirect.scatter.add.f32 [tilespmem:s6], [sflag:$0x3], $0x10, s14, s28, $0xb8;
	[tilespmem:$0x16F00] =	vst v63  }
0xcd: {  	s4 =	simm.s32 $0x10180;
	s6 =	simm.s32 $0x1800  }
0xce: {  	[spmem:s2] =	stream.indirect.scatter.add.f32 [tilespmem:s6], [sflag:$0x3], $0x10, s4, s28, $0xb8;
	[tilespmem:$0x16F00] =	vst v63  }
0xcf: {  	s14 =	simm.s32 $0x11180  }
0xd0: {  	[spmem:s3] =	stream.indirect.scatter.add.f32 [tilespmem:s6], [sflag:$0x3], $0x10, s14, s28, $0xb8;
	[tilespmem:$0x16F00] =	vst v63  }
0xd1: {  	s4 =	simm.s32 $0x10200;
	s6 =	simm.s32 $0x2000  }
0xd2: {  	[spmem:s2] =	stream.indirect.scatter.add.f32 [tilespmem:s6], [sflag:$0x3], $0x10, s4, s28, $0xb8;
	[tilespmem:$0x16F00] =	vst v63  }
0xd3: {  	s14 =	simm.s32 $0x11200  }
0xd4: {  	[spmem:s3] =	stream.indirect.scatter.add.f32 [tilespmem:s6], [sflag:$0x3], $0x10, s14, s28, $0xb8;
	[tilespmem:$0x16F00] =	vst v63  }
0xd5: {  	s4 =	simm.s32 $0x10280;
	s6 =	simm.s32 $0x2800  }
0xd6: {  	[spmem:s2] =	stream.indirect.scatter.add.f32 [tilespmem:s6], [sflag:$0x3], $0x10, s4, s28, $0xb8;
	[tilespmem:$0x16F00] =	vst v63  }
0xd7: {  	s14 =	simm.s32 $0x11280  }
0xd8: {  	[spmem:s3] =	stream.indirect.scatter.add.f32 [tilespmem:s6], [sflag:$0x3], $0x10, s14, s28, $0xb8;
	[tilespmem:$0x16F00] =	vst v63  }
0xd9: {  	s4 =	simm.s32 $0x10300;
	s6 =	simm.s32 $0x3000  }
0xda: {  	[spmem:s2] =	stream.indirect.scatter.add.f32 [tilespmem:s6], [sflag:$0x3], $0x10, s4, s28, $0xb8;
	[tilespmem:$0x16F00] =	vst v63  }
0xdb: {  	s14 =	simm.s32 $0x11300  }
0xdc: {  	[spmem:s3] =	stream.indirect.scatter.add.f32 [tilespmem:s6], [sflag:$0x3], $0x10, s14, s28, $0xb8;
	[tilespmem:$0x16F00] =	vst v63  }
0xdd: {  	s4 =	simm.s32 $0x10380;
	s6 =	simm.s32 $0x3800  }
0xde: {  	[spmem:s2] =	stream.indirect.scatter.add.f32 [tilespmem:s6], [sflag:$0x3], $0x10, s4, s28, $0xb8;
	[tilespmem:$0x16F00] =	vst v63  }
0xdf: {  	s14 =	simm.s32 $0x11380  }
0xe0: {  	[spmem:s3] =	stream.indirect.scatter.add.f32 [tilespmem:s6], [sflag:$0x3], $0x10, s14, s28, $0xb8;
	[tilespmem:$0x16F00] =	vst v63  }
0xe1: {  	s4 =	simm.s32 $0x10400;
	s6 =	simm.s32 $0x4000  }
0xe2: {  	[spmem:s2] =	stream.indirect.scatter.add.f32 [tilespmem:s6], [sflag:$0x3], $0x10, s4, s28, $0xb8;
	[tilespmem:$0x16F00] =	vst v63  }
0xe3: {  	s14 =	simm.s32 $0x11400  }
0xe4: {  	[spmem:s3] =	stream.indirect.scatter.add.f32 [tilespmem:s6], [sflag:$0x3], $0x10, s14, s28, $0xb8;
	[tilespmem:$0x16F00] =	vst v63  }
0xe5: {  	s4 =	simm.s32 $0x10480;
	s6 =	simm.s32 $0x4800  }
0xe6: {  	[spmem:s2] =	stream.indirect.scatter.add.f32 [tilespmem:s6], [sflag:$0x3], $0x10, s4, s28, $0xb8;
	[tilespmem:$0x16F00] =	vst v63  }
0xe7: {  	s14 =	simm.s32 $0x11480  }
0xe8: {  	[spmem:s3] =	stream.indirect.scatter.add.f32 [tilespmem:s6], [sflag:$0x3], $0x10, s14, s28, $0xb8;
	[tilespmem:$0x16F00] =	vst v63  }
0xe9: {  	s4 =	simm.s32 $0x10500;
	s6 =	simm.s32 $0x5000  }
0xea: {  	[spmem:s2] =	stream.indirect.scatter.add.f32 [tilespmem:s6], [sflag:$0x3], $0x10, s4, s28, $0xb8;
	[tilespmem:$0x16F00] =	vst v63  }
0xeb: {  	s14 =	simm.s32 $0x11500  }
0xec: {  	[spmem:s3] =	stream.indirect.scatter.add.f32 [tilespmem:s6], [sflag:$0x3], $0x10, s14, s28, $0xb8;
	[tilespmem:$0x16F00] =	vst v63  }
0xed: {  	s4 =	simm.s32 $0x10580;
	s6 =	simm.s32 $0x5800  }
0xee: {  	[spmem:s2] =	stream.indirect.scatter.add.f32 [tilespmem:s6], [sflag:$0x3], $0x10, s4, s28, $0xb8;
	[tilespmem:$0x16F00] =	vst v63  }
0xef: {  	s14 =	simm.s32 $0x11580  }
0xf0: {  	[spmem:s3] =	stream.indirect.scatter.add.f32 [tilespmem:s6], [sflag:$0x3], $0x10, s14, s28, $0xb8;
	[tilespmem:$0x16F00] =	vst v63  }
0xf1: {  	s4 =	simm.s32 $0x10600;
	s6 =	simm.s32 $0x6000  }
0xf2: {  	[spmem:s2] =	stream.indirect.scatter.add.f32 [tilespmem:s6], [sflag:$0x3], $0x10, s4, s28, $0xb8;
	[tilespmem:$0x16F00] =	vst v63  }
0xf3: {  	s14 =	simm.s32 $0x11600  }
0xf4: {  	[spmem:s3] =	stream.indirect.scatter.add.f32 [tilespmem:s6], [sflag:$0x3], $0x10, s14, s28, $0xb8;
	[tilespmem:$0x16F00] =	vst v63  }
0xf5: {  	s4 =	simm.s32 $0x10680;
	s6 =	simm.s32 $0x6800  }
0xf6: {  	[spmem:s2] =	stream.indirect.scatter.add.f32 [tilespmem:s6], [sflag:$0x3], $0x10, s4, s28, $0xb8;
	[tilespmem:$0x16F00] =	vst v63  }
0xf7: {  	s14 =	simm.s32 $0x11680  }
0xf8: {  	[spmem:s3] =	stream.indirect.scatter.add.f32 [tilespmem:s6], [sflag:$0x3], $0x10, s14, s28, $0xb8;
	[tilespmem:$0x16F00] =	vst v63  }
0xf9: {  	s4 =	simm.s32 $0x10700;
	s6 =	simm.s32 $0x7000  }
0xfa: {  	[spmem:s2] =	stream.indirect.scatter.add.f32 [tilespmem:s6], [sflag:$0x3], $0x10, s4, s28, $0xb8;
	[tilespmem:$0x16F00] =	vst v63  }
0xfb: {  	s14 =	simm.s32 $0x11700  }
0xfc: {  	[spmem:s3] =	stream.indirect.scatter.add.f32 [tilespmem:s6], [sflag:$0x3], $0x10, s14, s28, $0xb8;
	[tilespmem:$0x16F00] =	vst v63  }
0xfd: {  	s4 =	simm.s32 $0x10780;
	s6 =	simm.s32 $0x7800  }
0xfe: {  	[spmem:s2] =	stream.indirect.scatter.add.f32 [tilespmem:s6], [sflag:$0x3], $0x10, s4, s28, $0xb8;
	[tilespmem:$0x16F00] =	vst v63  }
0xff: {  	s14 =	simm.s32 $0x11780  }
0x100: {  	[spmem:s3] =	stream.indirect.scatter.add.f32 [tilespmem:s6], [sflag:$0x3], $0x10, s14, s28, $0xb8;
	[tilespmem:$0x16F00] =	vst v63  }
0x101: {  	p3 =	seq.s32 s22, $0x0;
	_ =	swait.ge [sflag:s29], $0x8000  }
.Ltmp8:
0x102: {  	[sflag:s29] =	ssyncset.done $0x0;
	(pc) =	sbr.rel @p3 .LBB2_10-.Ltmp8, $4  }
.Ltmp9:
0x103: {  	[sflag:s29] =	ssyncadd.s32 $0xFFFF8000;
	(pc) =	sbr.rel @!p3 .LBB2_9-.Ltmp9, $4  }
0x104: {  	_ =	swait.ge [sflag:s29], $0x8000  }
0x105: {  	[sflag:s29] =	ssyncset.done $0x0  }
0x106: {  	[sflag:s29] =	ssyncadd.s32 $0xFFFF8000  }
0x107: {  	_ = 	snop  }
.LBB2_12:
0x108: {  	_ =	sfence.sel $0x180000  }
0x109: {  	[bflag:$0x0] =	sbarrier.arrive $0xFFFF  }
0x10a: {  	_ =	strace $0x90000047  }
0x10b: {  	[bflag:$0x2] =	sbarrier.arrive $0xFFFF  }
0x10c: {  	s0 =	rddreg [dreg:$0x4]  }
0x10d: {  	s0 =	sadd.s32 @!p1 $0x100000, s0  }
0x10e: {  	[sflag:s0] =	ssyncadd.tile.s32 @!p1 $0x1;
	_ =	shalt  }
.Lfunc_end2:
_tile_overlayer_lowered:
.L_overlay_start_2:
0x10f: {  	(tag) =	ssettag $0x2  }
0x110: {  	s0 =	rddreg [dreg:$0x0];
	s2 =	stileid.u32  }
0x111: {  	s1 =	rddreg [dreg:$0x1];
	p0 =	sne.s32 s2, $0x0  }
0x112: {  	s3 =	rddreg [dreg:$0x2];
	[bflag:$0x3] =	sbarrier.arrive $0xFFFF;
	s2 =	simm.s32 @!p0 $0x1C04  }
0x113: {  	[timem:s3], [sflag:s2] =	dma.local @!p0 [hbm:s0], s1  }
0x114: {  	s0 =	simm.s32 @!p0 $0x4  }
0x115: {  	_ =	swait.ge @!p0 [sflag:s0], s1  }
0x116: {  	s1 =	ssub.s32 @!p0 $0x0, s1;
	[sflag:s0] =	ssyncset.done @!p0 $0x0  }
0x117: {  	[sflag:s0] =	ssyncadd.s32 @!p0 s1  }
0x118: {  	[bflag:$0x3] =	sbarrier.arrive $0xFFFF  }
0x119: {  	_ =	shalt  }

</sc_bundles>
